<compile_context>
chip_gen: v7x
topology: tpu7x:2x2x1
jax: 0.10.2.dev20260603
libtpu: 0.0.44.dev20260713+nightly
codegen_flags: <defaults>
</compile_context>

<pallas_src>
import jax
import jax.numpy as jnp
from jax import lax
from jax.experimental import pallas as pl
from jax.experimental.pallas import tpu as pltpu
from jax.experimental.pallas import tpu_sc as plsc

D_EMB = 16
N_IDX = 10
N_GAR = 21
D_OUT = 10
BATCH = 16384

_info = plsc.get_sparse_core_info()
NC, NS, L = _info.num_cores, _info.num_subcores, _info.num_lanes
NW = NC * NS
BPW = BATCH // NW
CHUNK = 128
N_CHUNK = BPW // CHUNK
N_BLK = BPW // L


def _tower_body(ids_hbm, ig_hbm, gg_hbm, emb_hbm, wbc_hbm, wot_hbm, out_hbm,
                idx_v, rows_v, rows_t, ig_v, gg_v, wot_v, wbc_v, out_v, sem):
    wid = lax.axis_index("s") * NC + lax.axis_index("c")
    base = wid * BPW

    pltpu.sync_copy(ids_hbm.at[wid], idx_v)
    gathers = [
        pltpu.async_copy(emb_hbm.at[idx_v.at[j]],
                         rows_v.at[pl.ds(j * CHUNK, CHUNK)], sem)
        for j in range(N_CHUNK)
    ]
    pltpu.sync_copy(ig_hbm.at[pl.ds(base, BPW)], ig_v)
    pltpu.sync_copy(gg_hbm.at[pl.ds(base, BPW)], gg_v)
    pltpu.sync_copy(wot_hbm, wot_v)
    pltpu.sync_copy(wbc_hbm, wbc_v)
    for g in gathers:
        g.wait()

    iota = lax.iota(jnp.int32, L)
    tpose = iota * BPW

    @plsc.parallel_loop(0, N_BLK)
    def blk(j):
        r0 = j * L
        row_idx = iota + r0
        cols = [jnp.maximum(
                    plsc.load_gather(rows_v,
                                     [row_idx, jnp.full((L,), d, jnp.int32)]),
                    0.0)
                for d in range(D_EMB)]
        ig_blk = ig_v[pl.ds(r0, L)] * D_OUT
        gg_blk = (gg_v[pl.ds(r0, L)] + N_IDX) * D_OUT
        obase = (iota + r0) * D_OUT
        for k in range(D_OUT):
            bias = (plsc.load_gather(wot_v, [ig_blk + k])
                    + plsc.load_gather(wot_v, [gg_blk + k]))
            terms = [cols[d] * wbc_v[pl.ds((k * D_EMB + d) * L, L)]
                     for d in range(D_EMB)] + [bias]
            while len(terms) > 1:
                terms = [terms[i] + terms[i + 1] if i + 1 < len(terms)
                         else terms[i] for i in range(0, len(terms), 2)]
            plsc.store_scatter(out_v, [obase + k], terms[0])
    pltpu.sync_copy(out_v, out_hbm.at[pl.ds(base * D_OUT, BPW * D_OUT)])


_run = pl.kernel(
    _tower_body,
    out_type=jax.ShapeDtypeStruct((BATCH * D_OUT,), jnp.float32),
    mesh=plsc.VectorSubcoreMesh(core_axis_name="c", subcore_axis_name="s"),
    compiler_params=pltpu.CompilerParams(needs_layout_passes=False,
                                         use_tc_tiling_on_sc=False),
    scratch_types=[
        pltpu.VMEM((N_CHUNK, CHUNK), jnp.int32),
        pltpu.VMEM((BPW, D_EMB), jnp.float32),
        pltpu.VMEM((D_EMB * BPW,), jnp.float32),
        pltpu.VMEM((BPW,), jnp.int32),
        pltpu.VMEM((BPW,), jnp.int32),
        pltpu.VMEM(((N_IDX + N_GAR) * D_OUT,), jnp.float32),
        pltpu.VMEM((D_OUT * D_EMB * L,), jnp.float32),
        pltpu.VMEM((BPW * D_OUT,), jnp.float32),
        pltpu.SemaphoreType.DMA,
    ],
)


def kernel(item_ids, index_group_names, garment_group_names, emb_table, W, b):
    ids = item_ids.astype(jnp.int32).reshape(NW, N_CHUNK, CHUNK)
    wbc = jnp.repeat(W[:, :D_EMB].reshape(-1), L)
    wot = jnp.concatenate(
        [W[:, D_EMB:D_EMB + N_IDX].T, W[:, D_EMB + N_IDX:].T + b[None, :]],
        axis=0,
    ).reshape(-1)
    out = _run(ids, index_group_names.astype(jnp.int32),
               garment_group_names.astype(jnp.int32), emb_table, wbc, wot)
    return out.reshape(BATCH, D_OUT)

# --- scband reference (transcript-rebuilt; emitter-appended) ---
"""Pipeline reference for scband-item-tower-23957327577554 (READ-ONLY COPY).

The authoritative reference and input builder live on the scoring server;
editing this copy changes nothing except your own understanding.
"""

import jax, jax.numpy as jnp
import numpy as np

NUM_ITEMS = 1000000
NUM_INDEX_GROUPS = 10
NUM_GARMENT_GROUPS = 21
ITEM_EMB_DIM = 16
OUTPUT_DIM = 10
BATCH = 16384

def setup_inputs(seed: int = 0) -> dict:
    key = jax.random.key(seed)
    k1, k2, k3, k4, k5, k6 = jax.random.split(key, 6)
    item_ids = jax.random.randint(k1, (BATCH,), 0, NUM_ITEMS, dtype=jnp.int64 if jax.config.jax_enable_x64 else jnp.int32)
    index_group_names = jax.random.randint(k2, (BATCH,), 0, NUM_INDEX_GROUPS, dtype=jnp.int32)
    garment_group_names = jax.random.randint(k3, (BATCH,), 0, NUM_GARMENT_GROUPS, dtype=jnp.int32)
    emb_table = jax.random.normal(k4, (NUM_ITEMS, ITEM_EMB_DIM), dtype=jnp.float32)
    in_dim = ITEM_EMB_DIM + NUM_INDEX_GROUPS + NUM_GARMENT_GROUPS
    bound = 1.0 / np.sqrt(in_dim)
    W = jax.random.uniform(k5, (OUTPUT_DIM, in_dim), minval=-bound, maxval=bound, dtype=jnp.float32)
    b = jax.random.uniform(k6, (OUTPUT_DIM,), minval=-bound, maxval=bound, dtype=jnp.float32)
    return {"item_ids": item_ids, "index_group_names": index_group_names, "garment_group_names": garment_group_names, "emb_table": emb_table, "W": W, "b": b}

def reference(item_ids, index_group_names, garment_group_names, emb_table, W, b):
    item_features = jnp.take(emb_table, item_ids, axis=0)
    index_group_features = jax.nn.one_hot(index_group_names, NUM_INDEX_GROUPS, dtype=jnp.float32)
    garment_group_features = jax.nn.one_hot(garment_group_names, NUM_GARMENT_GROUPS, dtype=jnp.float32)
    features = jnp.concatenate([item_features, index_group_features, garment_group_features], axis=1)
    features = jax.nn.relu(features)
    return features @ W.T + b

if __name__ == "__main__":
    import jax
    _d = setup_inputs()
    print(jax.jit(kernel)(*tuple(_d.values())))

</pallas_src>

<mosaic_0001>
#map = affine_map<(d0, d1) -> (0, 0, 0)>
#map1 = affine_map<(d0, d1) -> (0)>
#map2 = affine_map<(d0, d1) -> (0, 0)>
module attributes {stable_mosaic.version = 14 : i64} {
  func.func @_tower_body(%arg0: i32, %arg1: i32, %arg2: memref<32x4x128xi32, #tpu.memory_space<hbm>>, %arg3: memref<16384xi32, #tpu.memory_space<hbm>>, %arg4: memref<16384xi32, #tpu.memory_space<hbm>>, %arg5: memref<1000000x16xf32, #tpu.memory_space<hbm>>, %arg6: memref<2560xf32, #tpu.memory_space<hbm>>, %arg7: memref<310xf32, #tpu.memory_space<hbm>>, %arg8: memref<163840xf32, #tpu.memory_space<hbm>>, %arg9: memref<4x128xi32, #tpu.memory_space<vmem>>, %arg10: memref<512x16xf32, #tpu.memory_space<vmem>>, %arg11: memref<8192xf32, #tpu.memory_space<vmem>>, %arg12: memref<512xi32, #tpu.memory_space<vmem>>, %arg13: memref<512xi32, #tpu.memory_space<vmem>>, %arg14: memref<310xf32, #tpu.memory_space<vmem>>, %arg15: memref<2560xf32, #tpu.memory_space<vmem>>, %arg16: memref<5120xf32, #tpu.memory_space<vmem>>, %arg17: memref<!tpu.dma_semaphore, #tpu.memory_space<semaphore_mem>>) attributes {dimension_semantics = [#tpu.dimension_semantics<core_parallel>, #tpu.dimension_semantics<subcore_parallel>], iteration_bounds = array<i64: 2, 16>, scalar_prefetch = 0 : i64, scratch_operands = 9 : i64, tpu.core_type = #tpu.core_type<sc_vector_subcore>, window_params = [{transform_indices = #map}, {transform_indices = #map1}, {transform_indices = #map1}, {transform_indices = #map2}, {transform_indices = #map1}, {transform_indices = #map1}, {transform_indices = #map1}]} {
    %mul3A = arith.constant 2 : i32
    %mul3A_0 = arith.muli %arg1, %mul3A : i32
    %add3A = arith.addi %mul3A_0, %arg0 : i32
    %mul3A_1 = arith.constant 512 : i32
    %mul3A_2 = arith.muli %add3A, %mul3A_1 : i32
    "tpu.region"() ({
      %run_scoped3A = tpu.sem_alloc : memref<!tpu.dma_semaphore, #tpu.memory_space<semaphore_mem>>
      %dma_start3A_88 = arith.constant 0 : i32
      %dma_start3A_89 = arith.constant 0 : i32
      %dma_start3A_90 = tpu.memref_slice %arg2[%add3A, %dma_start3A_88, %dma_start3A_89] : memref<32x4x128xi32, #tpu.memory_space<hbm>> -> memref<1x4x128xi32, #tpu.memory_space<hbm>>
      %dma_start3A_91 = tpu.memref_squeeze %dma_start3A_90 : memref<1x4x128xi32, #tpu.memory_space<hbm>> -> memref<4x128xi32, #tpu.memory_space<hbm>>
      %dma_start3A_92 = arith.constant 0 : i32
      %dma_start3A_93 = arith.constant 0 : i32
      %dma_start3A_94 = tpu.memref_slice %arg2[%add3A, %dma_start3A_92, %dma_start3A_93] : memref<32x4x128xi32, #tpu.memory_space<hbm>> -> memref<1x4x128xi32, #tpu.memory_space<hbm>>
      %dma_start3A_95 = tpu.memref_squeeze %dma_start3A_94 : memref<1x4x128xi32, #tpu.memory_space<hbm>> -> memref<4x128xi32, #tpu.memory_space<hbm>>
      tpu.enqueue_dma source(%dma_start3A_95 : memref<4x128xi32, #tpu.memory_space<hbm>>) target(%arg9 : memref<4x128xi32, #tpu.memory_space<vmem>>) target_semaphore(%run_scoped3A : memref<!tpu.dma_semaphore, #tpu.memory_space<semaphore_mem>>)
      %dma_wait3A_96 = arith.constant 0 : i32
      %dma_wait3A_97 = arith.constant 0 : i32
      %dma_wait3A_98 = tpu.memref_slice %arg2[%add3A, %dma_wait3A_96, %dma_wait3A_97] : memref<32x4x128xi32, #tpu.memory_space<hbm>> -> memref<1x4x128xi32, #tpu.memory_space<hbm>>
      %dma_wait3A_99 = tpu.memref_squeeze %dma_wait3A_98 : memref<1x4x128xi32, #tpu.memory_space<hbm>> -> memref<4x128xi32, #tpu.memory_space<hbm>>
      %dma_wait3A_100 = arith.constant 0 : i32
      %dma_wait3A_101 = arith.constant 0 : i32
      %dma_wait3A_102 = tpu.memref_slice %arg2[%add3A, %dma_wait3A_100, %dma_wait3A_101] : memref<32x4x128xi32, #tpu.memory_space<hbm>> -> memref<1x4x128xi32, #tpu.memory_space<hbm>>
      %dma_wait3A_103 = tpu.memref_squeeze %dma_wait3A_102 : memref<1x4x128xi32, #tpu.memory_space<hbm>> -> memref<4x128xi32, #tpu.memory_space<hbm>>
      tpu.wait_dma2 semaphore(%run_scoped3A : memref<!tpu.dma_semaphore, #tpu.memory_space<semaphore_mem>>) src(%dma_wait3A_103 : memref<4x128xi32, #tpu.memory_space<hbm>>) dst(%arg9 : memref<4x128xi32, #tpu.memory_space<vmem>>)
      tpu.yield
    }) : () -> ()
    %dma_start3A = arith.constant 0 : i32
    %dma_start3A_3 = arith.constant 0 : i32
    %dma_start3A_4 = arith.constant 0 : i32
    %dma_start3A_5 = tpu.memref_slice %arg10[%dma_start3A_3, %dma_start3A_4] : memref<512x16xf32, #tpu.memory_space<vmem>> -> memref<128x16xf32, #tpu.memory_space<vmem>>
    %dma_start3A_6 = arith.constant 0 : i32
    %dma_start3A_7 = tpu.memref_slice %arg9[%dma_start3A, %dma_start3A_6] : memref<4x128xi32, #tpu.memory_space<vmem>> -> memref<1x128xi32, #tpu.memory_space<vmem>>
    %dma_start3A_8 = tpu.memref_squeeze %dma_start3A_7 : memref<1x128xi32, #tpu.memory_space<vmem>> -> memref<128xi32, #tpu.memory_space<vmem>>
    %dma_start3A_9 = arith.constant 0 : i32
    %dma_start3A_10 = arith.constant 0 : i32
    %dma_start3A_11 = tpu.memref_slice %arg5[%dma_start3A_9, %dma_start3A_10] : memref<1000000x16xf32, #tpu.memory_space<hbm>> -> memref<1000000x16xf32, #tpu.memory_space<hbm>>
    tpu.enqueue_indirect_dma source(%dma_start3A_11 : memref<1000000x16xf32, #tpu.memory_space<hbm>>) target(%dma_start3A_5 : memref<128x16xf32, #tpu.memory_space<vmem>>) offsets(%dma_start3A_8 : memref<128xi32, #tpu.memory_space<vmem>>) semaphore(%arg17 : memref<!tpu.dma_semaphore, #tpu.memory_space<semaphore_mem>>)
    %dma_start3A_12 = arith.constant 1 : i32
    %dma_start3A_13 = arith.constant 128 : i32
    %dma_start3A_14 = arith.constant 0 : i32
    %dma_start3A_15 = tpu.memref_slice %arg10[%dma_start3A_13, %dma_start3A_14] : memref<512x16xf32, #tpu.memory_space<vmem>> -> memref<128x16xf32, #tpu.memory_space<vmem>>
    %dma_start3A_16 = arith.constant 0 : i32
    %dma_start3A_17 = tpu.memref_slice %arg9[%dma_start3A_12, %dma_start3A_16] : memref<4x128xi32, #tpu.memory_space<vmem>> -> memref<1x128xi32, #tpu.memory_space<vmem>>
    %dma_start3A_18 = tpu.memref_squeeze %dma_start3A_17 : memref<1x128xi32, #tpu.memory_space<vmem>> -> memref<128xi32, #tpu.memory_space<vmem>>
    %dma_start3A_19 = arith.constant 0 : i32
    %dma_start3A_20 = arith.constant 0 : i32
    %dma_start3A_21 = tpu.memref_slice %arg5[%dma_start3A_19, %dma_start3A_20] : memref<1000000x16xf32, #tpu.memory_space<hbm>> -> memref<1000000x16xf32, #tpu.memory_space<hbm>>
    tpu.enqueue_indirect_dma source(%dma_start3A_21 : memref<1000000x16xf32, #tpu.memory_space<hbm>>) target(%dma_start3A_15 : memref<128x16xf32, #tpu.memory_space<vmem>>) offsets(%dma_start3A_18 : memref<128xi32, #tpu.memory_space<vmem>>) semaphore(%arg17 : memref<!tpu.dma_semaphore, #tpu.memory_space<semaphore_mem>>)
    %dma_start3A_22 = arith.constant 2 : i32
    %dma_start3A_23 = arith.constant 256 : i32
    %dma_start3A_24 = arith.constant 0 : i32
    %dma_start3A_25 = tpu.memref_slice %arg10[%dma_start3A_23, %dma_start3A_24] : memref<512x16xf32, #tpu.memory_space<vmem>> -> memref<128x16xf32, #tpu.memory_space<vmem>>
    %dma_start3A_26 = arith.constant 0 : i32
    %dma_start3A_27 = tpu.memref_slice %arg9[%dma_start3A_22, %dma_start3A_26] : memref<4x128xi32, #tpu.memory_space<vmem>> -> memref<1x128xi32, #tpu.memory_space<vmem>>
    %dma_start3A_28 = tpu.memref_squeeze %dma_start3A_27 : memref<1x128xi32, #tpu.memory_space<vmem>> -> memref<128xi32, #tpu.memory_space<vmem>>
    %dma_start3A_29 = arith.constant 0 : i32
    %dma_start3A_30 = arith.constant 0 : i32
    %dma_start3A_31 = tpu.memref_slice %arg5[%dma_start3A_29, %dma_start3A_30] : memref<1000000x16xf32, #tpu.memory_space<hbm>> -> memref<1000000x16xf32, #tpu.memory_space<hbm>>
    tpu.enqueue_indirect_dma source(%dma_start3A_31 : memref<1000000x16xf32, #tpu.memory_space<hbm>>) target(%dma_start3A_25 : memref<128x16xf32, #tpu.memory_space<vmem>>) offsets(%dma_start3A_28 : memref<128xi32, #tpu.memory_space<vmem>>) semaphore(%arg17 : memref<!tpu.dma_semaphore, #tpu.memory_space<semaphore_mem>>)
    %dma_start3A_32 = arith.constant 3 : i32
    %dma_start3A_33 = arith.constant 384 : i32
    %dma_start3A_34 = arith.constant 0 : i32
    %dma_start3A_35 = tpu.memref_slice %arg10[%dma_start3A_33, %dma_start3A_34] : memref<512x16xf32, #tpu.memory_space<vmem>> -> memref<128x16xf32, #tpu.memory_space<vmem>>
    %dma_start3A_36 = arith.constant 0 : i32
    %dma_start3A_37 = tpu.memref_slice %arg9[%dma_start3A_32, %dma_start3A_36] : memref<4x128xi32, #tpu.memory_space<vmem>> -> memref<1x128xi32, #tpu.memory_space<vmem>>
    %dma_start3A_38 = tpu.memref_squeeze %dma_start3A_37 : memref<1x128xi32, #tpu.memory_space<vmem>> -> memref<128xi32, #tpu.memory_space<vmem>>
    %dma_start3A_39 = arith.constant 0 : i32
    %dma_start3A_40 = arith.constant 0 : i32
    %dma_start3A_41 = tpu.memref_slice %arg5[%dma_start3A_39, %dma_start3A_40] : memref<1000000x16xf32, #tpu.memory_space<hbm>> -> memref<1000000x16xf32, #tpu.memory_space<hbm>>
    tpu.enqueue_indirect_dma source(%dma_start3A_41 : memref<1000000x16xf32, #tpu.memory_space<hbm>>) target(%dma_start3A_35 : memref<128x16xf32, #tpu.memory_space<vmem>>) offsets(%dma_start3A_38 : memref<128xi32, #tpu.memory_space<vmem>>) semaphore(%arg17 : memref<!tpu.dma_semaphore, #tpu.memory_space<semaphore_mem>>)
    "tpu.region"() ({
      %run_scoped3A = tpu.sem_alloc : memref<!tpu.dma_semaphore, #tpu.memory_space<semaphore_mem>>
      %dma_start3A_88 = tpu.memref_slice %arg3[%mul3A_2] : memref<16384xi32, #tpu.memory_space<hbm>> -> memref<512xi32, #tpu.memory_space<hbm>>
      %dma_start3A_89 = tpu.memref_slice %arg3[%mul3A_2] : memref<16384xi32, #tpu.memory_space<hbm>> -> memref<512xi32, #tpu.memory_space<hbm>>
      tpu.enqueue_dma source(%dma_start3A_89 : memref<512xi32, #tpu.memory_space<hbm>>) target(%arg12 : memref<512xi32, #tpu.memory_space<vmem>>) target_semaphore(%run_scoped3A : memref<!tpu.dma_semaphore, #tpu.memory_space<semaphore_mem>>)
      %dma_wait3A_90 = tpu.memref_slice %arg3[%mul3A_2] : memref<16384xi32, #tpu.memory_space<hbm>> -> memref<512xi32, #tpu.memory_space<hbm>>
      %dma_wait3A_91 = tpu.memref_slice %arg3[%mul3A_2] : memref<16384xi32, #tpu.memory_space<hbm>> -> memref<512xi32, #tpu.memory_space<hbm>>
      tpu.wait_dma2 semaphore(%run_scoped3A : memref<!tpu.dma_semaphore, #tpu.memory_space<semaphore_mem>>) src(%dma_wait3A_91 : memref<512xi32, #tpu.memory_space<hbm>>) dst(%arg12 : memref<512xi32, #tpu.memory_space<vmem>>)
      tpu.yield
    }) : () -> ()
    "tpu.region"() ({
      %run_scoped3A = tpu.sem_alloc : memref<!tpu.dma_semaphore, #tpu.memory_space<semaphore_mem>>
      %dma_start3A_88 = tpu.memref_slice %arg4[%mul3A_2] : memref<16384xi32, #tpu.memory_space<hbm>> -> memref<512xi32, #tpu.memory_space<hbm>>
      %dma_start3A_89 = tpu.memref_slice %arg4[%mul3A_2] : memref<16384xi32, #tpu.memory_space<hbm>> -> memref<512xi32, #tpu.memory_space<hbm>>
      tpu.enqueue_dma source(%dma_start3A_89 : memref<512xi32, #tpu.memory_space<hbm>>) target(%arg13 : memref<512xi32, #tpu.memory_space<vmem>>) target_semaphore(%run_scoped3A : memref<!tpu.dma_semaphore, #tpu.memory_space<semaphore_mem>>)
      %dma_wait3A_90 = tpu.memref_slice %arg4[%mul3A_2] : memref<16384xi32, #tpu.memory_space<hbm>> -> memref<512xi32, #tpu.memory_space<hbm>>
      %dma_wait3A_91 = tpu.memref_slice %arg4[%mul3A_2] : memref<16384xi32, #tpu.memory_space<hbm>> -> memref<512xi32, #tpu.memory_space<hbm>>
      tpu.wait_dma2 semaphore(%run_scoped3A : memref<!tpu.dma_semaphore, #tpu.memory_space<semaphore_mem>>) src(%dma_wait3A_91 : memref<512xi32, #tpu.memory_space<hbm>>) dst(%arg13 : memref<512xi32, #tpu.memory_space<vmem>>)
      tpu.yield
    }) : () -> ()
    "tpu.region"() ({
      %run_scoped3A = tpu.sem_alloc : memref<!tpu.dma_semaphore, #tpu.memory_space<semaphore_mem>>
      tpu.enqueue_dma source(%arg7 : memref<310xf32, #tpu.memory_space<hbm>>) target(%arg14 : memref<310xf32, #tpu.memory_space<vmem>>) target_semaphore(%run_scoped3A : memref<!tpu.dma_semaphore, #tpu.memory_space<semaphore_mem>>)
      tpu.wait_dma2 semaphore(%run_scoped3A : memref<!tpu.dma_semaphore, #tpu.memory_space<semaphore_mem>>) src(%arg7 : memref<310xf32, #tpu.memory_space<hbm>>) dst(%arg14 : memref<310xf32, #tpu.memory_space<vmem>>)
      tpu.yield
    }) : () -> ()
    "tpu.region"() ({
      %run_scoped3A = tpu.sem_alloc : memref<!tpu.dma_semaphore, #tpu.memory_space<semaphore_mem>>
      tpu.enqueue_dma source(%arg6 : memref<2560xf32, #tpu.memory_space<hbm>>) target(%arg15 : memref<2560xf32, #tpu.memory_space<vmem>>) target_semaphore(%run_scoped3A : memref<!tpu.dma_semaphore, #tpu.memory_space<semaphore_mem>>)
      tpu.wait_dma2 semaphore(%run_scoped3A : memref<!tpu.dma_semaphore, #tpu.memory_space<semaphore_mem>>) src(%arg6 : memref<2560xf32, #tpu.memory_space<hbm>>) dst(%arg15 : memref<2560xf32, #tpu.memory_space<vmem>>)
      tpu.yield
    }) : () -> ()
    %dma_wait3A = arith.constant 0 : i32
    %dma_wait3A_42 = arith.constant 0 : i32
    %dma_wait3A_43 = arith.constant 0 : i32
    %dma_wait3A_44 = tpu.memref_slice %arg10[%dma_wait3A_42, %dma_wait3A_43] : memref<512x16xf32, #tpu.memory_space<vmem>> -> memref<128x16xf32, #tpu.memory_space<vmem>>
    %dma_wait3A_45 = arith.constant 0 : i32
    %dma_wait3A_46 = tpu.memref_slice %arg9[%dma_wait3A, %dma_wait3A_45] : memref<4x128xi32, #tpu.memory_space<vmem>> -> memref<1x128xi32, #tpu.memory_space<vmem>>
    %dma_wait3A_47 = tpu.memref_squeeze %dma_wait3A_46 : memref<1x128xi32, #tpu.memory_space<vmem>> -> memref<128xi32, #tpu.memory_space<vmem>>
    %dma_wait3A_48 = arith.constant 0 : i32
    %dma_wait3A_49 = arith.constant 0 : i32
    %dma_wait3A_50 = tpu.memref_slice %arg5[%dma_wait3A_48, %dma_wait3A_49] : memref<1000000x16xf32, #tpu.memory_space<hbm>> -> memref<1000000x16xf32, #tpu.memory_space<hbm>>
    tpu.wait_indirect_dma semaphore(%arg17 : memref<!tpu.dma_semaphore, #tpu.memory_space<semaphore_mem>>) src(%dma_wait3A_50 : memref<1000000x16xf32, #tpu.memory_space<hbm>>) dst(%dma_wait3A_44 : memref<128x16xf32, #tpu.memory_space<vmem>>)
    %dma_wait3A_51 = arith.constant 1 : i32
    %dma_wait3A_52 = arith.constant 128 : i32
    %dma_wait3A_53 = arith.constant 0 : i32
    %dma_wait3A_54 = tpu.memref_slice %arg10[%dma_wait3A_52, %dma_wait3A_53] : memref<512x16xf32, #tpu.memory_space<vmem>> -> memref<128x16xf32, #tpu.memory_space<vmem>>
    %dma_wait3A_55 = arith.constant 0 : i32
    %dma_wait3A_56 = tpu.memref_slice %arg9[%dma_wait3A_51, %dma_wait3A_55] : memref<4x128xi32, #tpu.memory_space<vmem>> -> memref<1x128xi32, #tpu.memory_space<vmem>>
    %dma_wait3A_57 = tpu.memref_squeeze %dma_wait3A_56 : memref<1x128xi32, #tpu.memory_space<vmem>> -> memref<128xi32, #tpu.memory_space<vmem>>
    %dma_wait3A_58 = arith.constant 0 : i32
    %dma_wait3A_59 = arith.constant 0 : i32
    %dma_wait3A_60 = tpu.memref_slice %arg5[%dma_wait3A_58, %dma_wait3A_59] : memref<1000000x16xf32, #tpu.memory_space<hbm>> -> memref<1000000x16xf32, #tpu.memory_space<hbm>>
    tpu.wait_indirect_dma semaphore(%arg17 : memref<!tpu.dma_semaphore, #tpu.memory_space<semaphore_mem>>) src(%dma_wait3A_60 : memref<1000000x16xf32, #tpu.memory_space<hbm>>) dst(%dma_wait3A_54 : memref<128x16xf32, #tpu.memory_space<vmem>>)
    %dma_wait3A_61 = arith.constant 2 : i32
    %dma_wait3A_62 = arith.constant 256 : i32
    %dma_wait3A_63 = arith.constant 0 : i32
    %dma_wait3A_64 = tpu.memref_slice %arg10[%dma_wait3A_62, %dma_wait3A_63] : memref<512x16xf32, #tpu.memory_space<vmem>> -> memref<128x16xf32, #tpu.memory_space<vmem>>
    %dma_wait3A_65 = arith.constant 0 : i32
    %dma_wait3A_66 = tpu.memref_slice %arg9[%dma_wait3A_61, %dma_wait3A_65] : memref<4x128xi32, #tpu.memory_space<vmem>> -> memref<1x128xi32, #tpu.memory_space<vmem>>
    %dma_wait3A_67 = tpu.memref_squeeze %dma_wait3A_66 : memref<1x128xi32, #tpu.memory_space<vmem>> -> memref<128xi32, #tpu.memory_space<vmem>>
    %dma_wait3A_68 = arith.constant 0 : i32
    %dma_wait3A_69 = arith.constant 0 : i32
    %dma_wait3A_70 = tpu.memref_slice %arg5[%dma_wait3A_68, %dma_wait3A_69] : memref<1000000x16xf32, #tpu.memory_space<hbm>> -> memref<1000000x16xf32, #tpu.memory_space<hbm>>
    tpu.wait_indirect_dma semaphore(%arg17 : memref<!tpu.dma_semaphore, #tpu.memory_space<semaphore_mem>>) src(%dma_wait3A_70 : memref<1000000x16xf32, #tpu.memory_space<hbm>>) dst(%dma_wait3A_64 : memref<128x16xf32, #tpu.memory_space<vmem>>)
    %dma_wait3A_71 = arith.constant 3 : i32
    %dma_wait3A_72 = arith.constant 384 : i32
    %dma_wait3A_73 = arith.constant 0 : i32
    %dma_wait3A_74 = tpu.memref_slice %arg10[%dma_wait3A_72, %dma_wait3A_73] : memref<512x16xf32, #tpu.memory_space<vmem>> -> memref<128x16xf32, #tpu.memory_space<vmem>>
    %dma_wait3A_75 = arith.constant 0 : i32
    %dma_wait3A_76 = tpu.memref_slice %arg9[%dma_wait3A_71, %dma_wait3A_75] : memref<4x128xi32, #tpu.memory_space<vmem>> -> memref<1x128xi32, #tpu.memory_space<vmem>>
    %dma_wait3A_77 = tpu.memref_squeeze %dma_wait3A_76 : memref<1x128xi32, #tpu.memory_space<vmem>> -> memref<128xi32, #tpu.memory_space<vmem>>
    %dma_wait3A_78 = arith.constant 0 : i32
    %dma_wait3A_79 = arith.constant 0 : i32
    %dma_wait3A_80 = tpu.memref_slice %arg5[%dma_wait3A_78, %dma_wait3A_79] : memref<1000000x16xf32, #tpu.memory_space<hbm>> -> memref<1000000x16xf32, #tpu.memory_space<hbm>>
    tpu.wait_indirect_dma semaphore(%arg17 : memref<!tpu.dma_semaphore, #tpu.memory_space<semaphore_mem>>) src(%dma_wait3A_80 : memref<1000000x16xf32, #tpu.memory_space<hbm>>) dst(%dma_wait3A_74 : memref<128x16xf32, #tpu.memory_space<vmem>>)
    %iota3A = tpu.iota {dimensions = array<i32: 0>} : vector<16xi32>
    %mul3A_81 = arith.constant 512 : i32
    %mul3A_82 = vector.broadcast %mul3A_81 : i32 to vector<16xi32>
    %mul3A_83 = arith.muli %iota3A, %mul3A_82 : vector<16xi32>
    %parallel_loop3A = arith.constant 0 : i32
    %parallel_loop3A_84 = arith.constant 32 : i32
    %parallel_loop3A_85 = arith.constant 1 : i32
    scf.for %parallel_loop3A_88 = %parallel_loop3A to %parallel_loop3A_84 step %parallel_loop3A_85  : i32 {
      %parallel_loop3A_89 = arith.constant 16 : i32
      %parallel_loop3A_90 = arith.muli %parallel_loop3A_88, %parallel_loop3A_89 : i32
      %parallel_loop3A_91 = vector.broadcast %parallel_loop3A_90 : i32 to vector<16xi32>
      %parallel_loop3A_92 = arith.addi %iota3A, %parallel_loop3A_91 : vector<16xi32>
      %parallel_loop3A_93 = arith.constant 0 : i32
      %parallel_loop3A_94 = vector.broadcast %parallel_loop3A_93 : i32 to vector<16xi32>
      %parallel_loop3A_95 = tpu.vector_load_idx %arg10[%parallel_loop3A_92, %parallel_loop3A_94] : memref<512x16xf32, #tpu.memory_space<vmem>>[vector<16xi32>, vector<16xi32>], vector<16xf32>,
      %parallel_loop3A_96 = arith.constant 0.000000e+00 : f32
      %parallel_loop3A_97 = vector.broadcast %parallel_loop3A_96 : f32 to vector<16xf32>
      %parallel_loop3A_98 = arith.maximumf %parallel_loop3A_95, %parallel_loop3A_97 : vector<16xf32>
      %parallel_loop3A_99 = arith.constant 1 : i32
      %parallel_loop3A_100 = vector.broadcast %parallel_loop3A_99 : i32 to vector<16xi32>
      %parallel_loop3A_101 = tpu.vector_load_idx %arg10[%parallel_loop3A_92, %parallel_loop3A_100] : memref<512x16xf32, #tpu.memory_space<vmem>>[vector<16xi32>, vector<16xi32>], vector<16xf32>,
      %parallel_loop3A_102 = arith.constant 0.000000e+00 : f32
      %parallel_loop3A_103 = vector.broadcast %parallel_loop3A_102 : f32 to vector<16xf32>
      %parallel_loop3A_104 = arith.maximumf %parallel_loop3A_101, %parallel_loop3A_103 : vector<16xf32>
      %parallel_loop3A_105 = arith.constant 2 : i32
      %parallel_loop3A_106 = vector.broadcast %parallel_loop3A_105 : i32 to vector<16xi32>
      %parallel_loop3A_107 = tpu.vector_load_idx %arg10[%parallel_loop3A_92, %parallel_loop3A_106] : memref<512x16xf32, #tpu.memory_space<vmem>>[vector<16xi32>, vector<16xi32>], vector<16xf32>,
      %parallel_loop3A_108 = arith.constant 0.000000e+00 : f32
      %parallel_loop3A_109 = vector.broadcast %parallel_loop3A_108 : f32 to vector<16xf32>
      %parallel_loop3A_110 = arith.maximumf %parallel_loop3A_107, %parallel_loop3A_109 : vector<16xf32>
      %parallel_loop3A_111 = arith.constant 3 : i32
      %parallel_loop3A_112 = vector.broadcast %parallel_loop3A_111 : i32 to vector<16xi32>
      %parallel_loop3A_113 = tpu.vector_load_idx %arg10[%parallel_loop3A_92, %parallel_loop3A_112] : memref<512x16xf32, #tpu.memory_space<vmem>>[vector<16xi32>, vector<16xi32>], vector<16xf32>,
      %parallel_loop3A_114 = arith.constant 0.000000e+00 : f32
      %parallel_loop3A_115 = vector.broadcast %parallel_loop3A_114 : f32 to vector<16xf32>
      %parallel_loop3A_116 = arith.maximumf %parallel_loop3A_113, %parallel_loop3A_115 : vector<16xf32>
      %parallel_loop3A_117 = arith.constant 4 : i32
      %parallel_loop3A_118 = vector.broadcast %parallel_loop3A_117 : i32 to vector<16xi32>
      %parallel_loop3A_119 = tpu.vector_load_idx %arg10[%parallel_loop3A_92, %parallel_loop3A_118] : memref<512x16xf32, #tpu.memory_space<vmem>>[vector<16xi32>, vector<16xi32>], vector<16xf32>,
      %parallel_loop3A_120 = arith.constant 0.000000e+00 : f32
      %parallel_loop3A_121 = vector.broadcast %parallel_loop3A_120 : f32 to vector<16xf32>
      %parallel_loop3A_122 = arith.maximumf %parallel_loop3A_119, %parallel_loop3A_121 : vector<16xf32>
      %parallel_loop3A_123 = arith.constant 5 : i32
      %parallel_loop3A_124 = vector.broadcast %parallel_loop3A_123 : i32 to vector<16xi32>
      %parallel_loop3A_125 = tpu.vector_load_idx %arg10[%parallel_loop3A_92, %parallel_loop3A_124] : memref<512x16xf32, #tpu.memory_space<vmem>>[vector<16xi32>, vector<16xi32>], vector<16xf32>,
      %parallel_loop3A_126 = arith.constant 0.000000e+00 : f32
      %parallel_loop3A_127 = vector.broadcast %parallel_loop3A_126 : f32 to vector<16xf32>
      %parallel_loop3A_128 = arith.maximumf %parallel_loop3A_125, %parallel_loop3A_127 : vector<16xf32>
      %parallel_loop3A_129 = arith.constant 6 : i32
      %parallel_loop3A_130 = vector.broadcast %parallel_loop3A_129 : i32 to vector<16xi32>
      %parallel_loop3A_131 = tpu.vector_load_idx %arg10[%parallel_loop3A_92, %parallel_loop3A_130] : memref<512x16xf32, #tpu.memory_space<vmem>>[vector<16xi32>, vector<16xi32>], vector<16xf32>,
      %parallel_loop3A_132 = arith.constant 0.000000e+00 : f32
      %parallel_loop3A_133 = vector.broadcast %parallel_loop3A_132 : f32 to vector<16xf32>
      %parallel_loop3A_134 = arith.maximumf %parallel_loop3A_131, %parallel_loop3A_133 : vector<16xf32>
      %parallel_loop3A_135 = arith.constant 7 : i32
      %parallel_loop3A_136 = vector.broadcast %parallel_loop3A_135 : i32 to vector<16xi32>
      %parallel_loop3A_137 = tpu.vector_load_idx %arg10[%parallel_loop3A_92, %parallel_loop3A_136] : memref<512x16xf32, #tpu.memory_space<vmem>>[vector<16xi32>, vector<16xi32>], vector<16xf32>,
      %parallel_loop3A_138 = arith.constant 0.000000e+00 : f32
      %parallel_loop3A_139 = vector.broadcast %parallel_loop3A_138 : f32 to vector<16xf32>
      %parallel_loop3A_140 = arith.maximumf %parallel_loop3A_137, %parallel_loop3A_139 : vector<16xf32>
      %parallel_loop3A_141 = arith.constant 8 : i32
      %parallel_loop3A_142 = vector.broadcast %parallel_loop3A_141 : i32 to vector<16xi32>
      %parallel_loop3A_143 = tpu.vector_load_idx %arg10[%parallel_loop3A_92, %parallel_loop3A_142] : memref<512x16xf32, #tpu.memory_space<vmem>>[vector<16xi32>, vector<16xi32>], vector<16xf32>,
      %parallel_loop3A_144 = arith.constant 0.000000e+00 : f32
      %parallel_loop3A_145 = vector.broadcast %parallel_loop3A_144 : f32 to vector<16xf32>
      %parallel_loop3A_146 = arith.maximumf %parallel_loop3A_143, %parallel_loop3A_145 : vector<16xf32>
      %parallel_loop3A_147 = arith.constant 9 : i32
      %parallel_loop3A_148 = vector.broadcast %parallel_loop3A_147 : i32 to vector<16xi32>
      %parallel_loop3A_149 = tpu.vector_load_idx %arg10[%parallel_loop3A_92, %parallel_loop3A_148] : memref<512x16xf32, #tpu.memory_space<vmem>>[vector<16xi32>, vector<16xi32>], vector<16xf32>,
      %parallel_loop3A_150 = arith.constant 0.000000e+00 : f32
      %parallel_loop3A_151 = vector.broadcast %parallel_loop3A_150 : f32 to vector<16xf32>
      %parallel_loop3A_152 = arith.maximumf %parallel_loop3A_149, %parallel_loop3A_151 : vector<16xf32>
      %parallel_loop3A_153 = arith.constant 10 : i32
      %parallel_loop3A_154 = vector.broadcast %parallel_loop3A_153 : i32 to vector<16xi32>
      %parallel_loop3A_155 = tpu.vector_load_idx %arg10[%parallel_loop3A_92, %parallel_loop3A_154] : memref<512x16xf32, #tpu.memory_space<vmem>>[vector<16xi32>, vector<16xi32>], vector<16xf32>,
      %parallel_loop3A_156 = arith.constant 0.000000e+00 : f32
      %parallel_loop3A_157 = vector.broadcast %parallel_loop3A_156 : f32 to vector<16xf32>
      %parallel_loop3A_158 = arith.maximumf %parallel_loop3A_155, %parallel_loop3A_157 : vector<16xf32>
      %parallel_loop3A_159 = arith.constant 11 : i32
      %parallel_loop3A_160 = vector.broadcast %parallel_loop3A_159 : i32 to vector<16xi32>
      %parallel_loop3A_161 = tpu.vector_load_idx %arg10[%parallel_loop3A_92, %parallel_loop3A_160] : memref<512x16xf32, #tpu.memory_space<vmem>>[vector<16xi32>, vector<16xi32>], vector<16xf32>,
      %parallel_loop3A_162 = arith.constant 0.000000e+00 : f32
      %parallel_loop3A_163 = vector.broadcast %parallel_loop3A_162 : f32 to vector<16xf32>
      %parallel_loop3A_164 = arith.maximumf %parallel_loop3A_161, %parallel_loop3A_163 : vector<16xf32>
      %parallel_loop3A_165 = arith.constant 12 : i32
      %parallel_loop3A_166 = vector.broadcast %parallel_loop3A_165 : i32 to vector<16xi32>
      %parallel_loop3A_167 = tpu.vector_load_idx %arg10[%parallel_loop3A_92, %parallel_loop3A_166] : memref<512x16xf32, #tpu.memory_space<vmem>>[vector<16xi32>, vector<16xi32>], vector<16xf32>,
      %parallel_loop3A_168 = arith.constant 0.000000e+00 : f32
      %parallel_loop3A_169 = vector.broadcast %parallel_loop3A_168 : f32 to vector<16xf32>
      %parallel_loop3A_170 = arith.maximumf %parallel_loop3A_167, %parallel_loop3A_169 : vector<16xf32>
      %parallel_loop3A_171 = arith.constant 13 : i32
      %parallel_loop3A_172 = vector.broadcast %parallel_loop3A_171 : i32 to vector<16xi32>
      %parallel_loop3A_173 = tpu.vector_load_idx %arg10[%parallel_loop3A_92, %parallel_loop3A_172] : memref<512x16xf32, #tpu.memory_space<vmem>>[vector<16xi32>, vector<16xi32>], vector<16xf32>,
      %parallel_loop3A_174 = arith.constant 0.000000e+00 : f32
      %parallel_loop3A_175 = vector.broadcast %parallel_loop3A_174 : f32 to vector<16xf32>
      %parallel_loop3A_176 = arith.maximumf %parallel_loop3A_173, %parallel_loop3A_175 : vector<16xf32>
      %parallel_loop3A_177 = arith.constant 14 : i32
      %parallel_loop3A_178 = vector.broadcast %parallel_loop3A_177 : i32 to vector<16xi32>
      %parallel_loop3A_179 = tpu.vector_load_idx %arg10[%parallel_loop3A_92, %parallel_loop3A_178] : memref<512x16xf32, #tpu.memory_space<vmem>>[vector<16xi32>, vector<16xi32>], vector<16xf32>,
      %parallel_loop3A_180 = arith.constant 0.000000e+00 : f32
      %parallel_loop3A_181 = vector.broadcast %parallel_loop3A_180 : f32 to vector<16xf32>
      %parallel_loop3A_182 = arith.maximumf %parallel_loop3A_179, %parallel_loop3A_181 : vector<16xf32>
      %parallel_loop3A_183 = arith.constant 15 : i32
      %parallel_loop3A_184 = vector.broadcast %parallel_loop3A_183 : i32 to vector<16xi32>
      %parallel_loop3A_185 = tpu.vector_load_idx %arg10[%parallel_loop3A_92, %parallel_loop3A_184] : memref<512x16xf32, #tpu.memory_space<vmem>>[vector<16xi32>, vector<16xi32>], vector<16xf32>,
      %parallel_loop3A_186 = arith.constant 0.000000e+00 : f32
      %parallel_loop3A_187 = vector.broadcast %parallel_loop3A_186 : f32 to vector<16xf32>
      %parallel_loop3A_188 = arith.maximumf %parallel_loop3A_185, %parallel_loop3A_187 : vector<16xf32>
      %parallel_loop3A_189 = arith.index_cast %parallel_loop3A_90 : i32 to index
      %parallel_loop3A_190 = tpu.vector_load %arg12[%parallel_loop3A_189] {strides = array<i32>} : memref<512xi32, #tpu.memory_space<vmem>>, vector<16xi32>,
      %parallel_loop3A_191 = arith.constant 10 : i32
      %parallel_loop3A_192 = vector.broadcast %parallel_loop3A_191 : i32 to vector<16xi32>
      %parallel_loop3A_193 = arith.muli %parallel_loop3A_190, %parallel_loop3A_192 : vector<16xi32>
      %parallel_loop3A_194 = arith.index_cast %parallel_loop3A_90 : i32 to index
      %parallel_loop3A_195 = tpu.vector_load %arg13[%parallel_loop3A_194] {strides = array<i32>} : memref<512xi32, #tpu.memory_space<vmem>>, vector<16xi32>,
      %parallel_loop3A_196 = arith.constant 10 : i32
      %parallel_loop3A_197 = vector.broadcast %parallel_loop3A_196 : i32 to vector<16xi32>
      %parallel_loop3A_198 = arith.addi %parallel_loop3A_195, %parallel_loop3A_197 : vector<16xi32>
      %parallel_loop3A_199 = arith.constant 10 : i32
      %parallel_loop3A_200 = vector.broadcast %parallel_loop3A_199 : i32 to vector<16xi32>
      %parallel_loop3A_201 = arith.muli %parallel_loop3A_198, %parallel_loop3A_200 : vector<16xi32>
      %parallel_loop3A_202 = vector.broadcast %parallel_loop3A_90 : i32 to vector<16xi32>
      %parallel_loop3A_203 = arith.addi %iota3A, %parallel_loop3A_202 : vector<16xi32>
      %parallel_loop3A_204 = arith.constant 10 : i32
      %parallel_loop3A_205 = vector.broadcast %parallel_loop3A_204 : i32 to vector<16xi32>
      %parallel_loop3A_206 = arith.muli %parallel_loop3A_203, %parallel_loop3A_205 : vector<16xi32>
      %parallel_loop3A_207 = arith.constant 0 : i32
      %parallel_loop3A_208 = vector.broadcast %parallel_loop3A_207 : i32 to vector<16xi32>
      %parallel_loop3A_209 = arith.addi %parallel_loop3A_193, %parallel_loop3A_208 : vector<16xi32>
      %parallel_loop3A_210 = tpu.vector_load_idx %arg14[%parallel_loop3A_209] : memref<310xf32, #tpu.memory_space<vmem>>[vector<16xi32>], vector<16xf32>,
      %parallel_loop3A_211 = arith.constant 0 : i32
      %parallel_loop3A_212 = vector.broadcast %parallel_loop3A_211 : i32 to vector<16xi32>
      %parallel_loop3A_213 = arith.addi %parallel_loop3A_201, %parallel_loop3A_212 : vector<16xi32>
      %parallel_loop3A_214 = tpu.vector_load_idx %arg14[%parallel_loop3A_213] : memref<310xf32, #tpu.memory_space<vmem>>[vector<16xi32>], vector<16xf32>,
      %parallel_loop3A_215 = arith.addf %parallel_loop3A_210, %parallel_loop3A_214 : vector<16xf32>
      %parallel_loop3A_216 = arith.constant 0 : index
      %parallel_loop3A_217 = tpu.vector_load %arg15[%parallel_loop3A_216] {strides = array<i32>} : memref<2560xf32, #tpu.memory_space<vmem>>, vector<16xf32>,
      %parallel_loop3A_218 = arith.mulf %parallel_loop3A_98, %parallel_loop3A_217 : vector<16xf32>
      %parallel_loop3A_219 = arith.constant 16 : index
      %parallel_loop3A_220 = tpu.vector_load %arg15[%parallel_loop3A_219] {strides = array<i32>} : memref<2560xf32, #tpu.memory_space<vmem>>, vector<16xf32>,
      %parallel_loop3A_221 = arith.mulf %parallel_loop3A_104, %parallel_loop3A_220 : vector<16xf32>
      %parallel_loop3A_222 = arith.constant 32 : index
      %parallel_loop3A_223 = tpu.vector_load %arg15[%parallel_loop3A_222] {strides = array<i32>} : memref<2560xf32, #tpu.memory_space<vmem>>, vector<16xf32>,
      %parallel_loop3A_224 = arith.mulf %parallel_loop3A_110, %parallel_loop3A_223 : vector<16xf32>
      %parallel_loop3A_225 = arith.constant 48 : index
      %parallel_loop3A_226 = tpu.vector_load %arg15[%parallel_loop3A_225] {strides = array<i32>} : memref<2560xf32, #tpu.memory_space<vmem>>, vector<16xf32>,
      %parallel_loop3A_227 = arith.mulf %parallel_loop3A_116, %parallel_loop3A_226 : vector<16xf32>
      %parallel_loop3A_228 = arith.constant 64 : index
      %parallel_loop3A_229 = tpu.vector_load %arg15[%parallel_loop3A_228] {strides = array<i32>} : memref<2560xf32, #tpu.memory_space<vmem>>, vector<16xf32>,
      %parallel_loop3A_230 = arith.mulf %parallel_loop3A_122, %parallel_loop3A_229 : vector<16xf32>
      %parallel_loop3A_231 = arith.constant 80 : index
      %parallel_loop3A_232 = tpu.vector_load %arg15[%parallel_loop3A_231] {strides = array<i32>} : memref<2560xf32, #tpu.memory_space<vmem>>, vector<16xf32>,
      %parallel_loop3A_233 = arith.mulf %parallel_loop3A_128, %parallel_loop3A_232 : vector<16xf32>
      %parallel_loop3A_234 = arith.constant 96 : index
      %parallel_loop3A_235 = tpu.vector_load %arg15[%parallel_loop3A_234] {strides = array<i32>} : memref<2560xf32, #tpu.memory_space<vmem>>, vector<16xf32>,
      %parallel_loop3A_236 = arith.mulf %parallel_loop3A_134, %parallel_loop3A_235 : vector<16xf32>
      %parallel_loop3A_237 = arith.constant 112 : index
      %parallel_loop3A_238 = tpu.vector_load %arg15[%parallel_loop3A_237] {strides = array<i32>} : memref<2560xf32, #tpu.memory_space<vmem>>, vector<16xf32>,
      %parallel_loop3A_239 = arith.mulf %parallel_loop3A_140, %parallel_loop3A_238 : vector<16xf32>
      %parallel_loop3A_240 = arith.constant 128 : index
      %parallel_loop3A_241 = tpu.vector_load %arg15[%parallel_loop3A_240] {strides = array<i32>} : memref<2560xf32, #tpu.memory_space<vmem>>, vector<16xf32>,
      %parallel_loop3A_242 = arith.mulf %parallel_loop3A_146, %parallel_loop3A_241 : vector<16xf32>
      %parallel_loop3A_243 = arith.constant 144 : index
      %parallel_loop3A_244 = tpu.vector_load %arg15[%parallel_loop3A_243] {strides = array<i32>} : memref<2560xf32, #tpu.memory_space<vmem>>, vector<16xf32>,
      %parallel_loop3A_245 = arith.mulf %parallel_loop3A_152, %parallel_loop3A_244 : vector<16xf32>
      %parallel_loop3A_246 = arith.constant 160 : index
      %parallel_loop3A_247 = tpu.vector_load %arg15[%parallel_loop3A_246] {strides = array<i32>} : memref<2560xf32, #tpu.memory_space<vmem>>, vector<16xf32>,
      %parallel_loop3A_248 = arith.mulf %parallel_loop3A_158, %parallel_loop3A_247 : vector<16xf32>
      %parallel_loop3A_249 = arith.constant 176 : index
      %parallel_loop3A_250 = tpu.vector_load %arg15[%parallel_loop3A_249] {strides = array<i32>} : memref<2560xf32, #tpu.memory_space<vmem>>, vector<16xf32>,
      %parallel_loop3A_251 = arith.mulf %parallel_loop3A_164, %parallel_loop3A_250 : vector<16xf32>
      %parallel_loop3A_252 = arith.constant 192 : index
      %parallel_loop3A_253 = tpu.vector_load %arg15[%parallel_loop3A_252] {strides = array<i32>} : memref<2560xf32, #tpu.memory_space<vmem>>, vector<16xf32>,
      %parallel_loop3A_254 = arith.mulf %parallel_loop3A_170, %parallel_loop3A_253 : vector<16xf32>
      %parallel_loop3A_255 = arith.constant 208 : index
      %parallel_loop3A_256 = tpu.vector_load %arg15[%parallel_loop3A_255] {strides = array<i32>} : memref<2560xf32, #tpu.memory_space<vmem>>, vector<16xf32>,
      %parallel_loop3A_257 = arith.mulf %parallel_loop3A_176, %parallel_loop3A_256 : vector<16xf32>
      %parallel_loop3A_258 = arith.constant 224 : index
      %parallel_loop3A_259 = tpu.vector_load %arg15[%parallel_loop3A_258] {strides = array<i32>} : memref<2560xf32, #tpu.memory_space<vmem>>, vector<16xf32>,
      %parallel_loop3A_260 = arith.mulf %parallel_loop3A_182, %parallel_loop3A_259 : vector<16xf32>
      %parallel_loop3A_261 = arith.constant 240 : index
      %parallel_loop3A_262 = tpu.vector_load %arg15[%parallel_loop3A_261] {strides = array<i32>} : memref<2560xf32, #tpu.memory_space<vmem>>, vector<16xf32>,
      %parallel_loop3A_263 = arith.mulf %parallel_loop3A_188, %parallel_loop3A_262 : vector<16xf32>
      %parallel_loop3A_264 = arith.addf %parallel_loop3A_218, %parallel_loop3A_221 : vector<16xf32>
      %parallel_loop3A_265 = arith.addf %parallel_loop3A_224, %parallel_loop3A_227 : vector<16xf32>
      %parallel_loop3A_266 = arith.addf %parallel_loop3A_230, %parallel_loop3A_233 : vector<16xf32>
      %parallel_loop3A_267 = arith.addf %parallel_loop3A_236, %parallel_loop3A_239 : vector<16xf32>
      %parallel_loop3A_268 = arith.addf %parallel_loop3A_242, %parallel_loop3A_245 : vector<16xf32>
      %parallel_loop3A_269 = arith.addf %parallel_loop3A_248, %parallel_loop3A_251 : vector<16xf32>
      %parallel_loop3A_270 = arith.addf %parallel_loop3A_254, %parallel_loop3A_257 : vector<16xf32>
      %parallel_loop3A_271 = arith.addf %parallel_loop3A_260, %parallel_loop3A_263 : vector<16xf32>
      %parallel_loop3A_272 = arith.addf %parallel_loop3A_264, %parallel_loop3A_265 : vector<16xf32>
      %parallel_loop3A_273 = arith.addf %parallel_loop3A_266, %parallel_loop3A_267 : vector<16xf32>
      %parallel_loop3A_274 = arith.addf %parallel_loop3A_268, %parallel_loop3A_269 : vector<16xf32>
      %parallel_loop3A_275 = arith.addf %parallel_loop3A_270, %parallel_loop3A_271 : vector<16xf32>
      %parallel_loop3A_276 = arith.addf %parallel_loop3A_272, %parallel_loop3A_273 : vector<16xf32>
      %parallel_loop3A_277 = arith.addf %parallel_loop3A_274, %parallel_loop3A_275 : vector<16xf32>
      %parallel_loop3A_278 = arith.addf %parallel_loop3A_276, %parallel_loop3A_277 : vector<16xf32>
      %parallel_loop3A_279 = arith.addf %parallel_loop3A_278, %parallel_loop3A_215 : vector<16xf32>
      %parallel_loop3A_280 = arith.constant 0 : i32
      %parallel_loop3A_281 = vector.broadcast %parallel_loop3A_280 : i32 to vector<16xi32>
      %parallel_loop3A_282 = arith.addi %parallel_loop3A_206, %parallel_loop3A_281 : vector<16xi32>
      tpu.vector_store_idx %arg16[%parallel_loop3A_282], %parallel_loop3A_279 : memref<5120xf32, #tpu.memory_space<vmem>>[vector<16xi32>], vector<16xf32>,
      %parallel_loop3A_283 = arith.constant 1 : i32
      %parallel_loop3A_284 = vector.broadcast %parallel_loop3A_283 : i32 to vector<16xi32>
      %parallel_loop3A_285 = arith.addi %parallel_loop3A_193, %parallel_loop3A_284 : vector<16xi32>
      %parallel_loop3A_286 = tpu.vector_load_idx %arg14[%parallel_loop3A_285] : memref<310xf32, #tpu.memory_space<vmem>>[vector<16xi32>], vector<16xf32>,
      %parallel_loop3A_287 = arith.constant 1 : i32
      %parallel_loop3A_288 = vector.broadcast %parallel_loop3A_287 : i32 to vector<16xi32>
      %parallel_loop3A_289 = arith.addi %parallel_loop3A_201, %parallel_loop3A_288 : vector<16xi32>
      %parallel_loop3A_290 = tpu.vector_load_idx %arg14[%parallel_loop3A_289] : memref<310xf32, #tpu.memory_space<vmem>>[vector<16xi32>], vector<16xf32>,
      %parallel_loop3A_291 = arith.addf %parallel_loop3A_286, %parallel_loop3A_290 : vector<16xf32>
      %parallel_loop3A_292 = arith.constant 256 : index
      %parallel_loop3A_293 = tpu.vector_load %arg15[%parallel_loop3A_292] {strides = array<i32>} : memref<2560xf32, #tpu.memory_space<vmem>>, vector<16xf32>,
      %parallel_loop3A_294 = arith.mulf %parallel_loop3A_98, %parallel_loop3A_293 : vector<16xf32>
      %parallel_loop3A_295 = arith.constant 272 : index
      %parallel_loop3A_296 = tpu.vector_load %arg15[%parallel_loop3A_295] {strides = array<i32>} : memref<2560xf32, #tpu.memory_space<vmem>>, vector<16xf32>,
      %parallel_loop3A_297 = arith.mulf %parallel_loop3A_104, %parallel_loop3A_296 : vector<16xf32>
      %parallel_loop3A_298 = arith.constant 288 : index
      %parallel_loop3A_299 = tpu.vector_load %arg15[%parallel_loop3A_298] {strides = array<i32>} : memref<2560xf32, #tpu.memory_space<vmem>>, vector<16xf32>,
      %parallel_loop3A_300 = arith.mulf %parallel_loop3A_110, %parallel_loop3A_299 : vector<16xf32>
      %parallel_loop3A_301 = arith.constant 304 : index
      %parallel_loop3A_302 = tpu.vector_load %arg15[%parallel_loop3A_301] {strides = array<i32>} : memref<2560xf32, #tpu.memory_space<vmem>>, vector<16xf32>,
      %parallel_loop3A_303 = arith.mulf %parallel_loop3A_116, %parallel_loop3A_302 : vector<16xf32>
      %parallel_loop3A_304 = arith.constant 320 : index
      %parallel_loop3A_305 = tpu.vector_load %arg15[%parallel_loop3A_304] {strides = array<i32>} : memref<2560xf32, #tpu.memory_space<vmem>>, vector<16xf32>,
      %parallel_loop3A_306 = arith.mulf %parallel_loop3A_122, %parallel_loop3A_305 : vector<16xf32>
      %parallel_loop3A_307 = arith.constant 336 : index
      %parallel_loop3A_308 = tpu.vector_load %arg15[%parallel_loop3A_307] {strides = array<i32>} : memref<2560xf32, #tpu.memory_space<vmem>>, vector<16xf32>,
      %parallel_loop3A_309 = arith.mulf %parallel_loop3A_128, %parallel_loop3A_308 : vector<16xf32>
      %parallel_loop3A_310 = arith.constant 352 : index
      %parallel_loop3A_311 = tpu.vector_load %arg15[%parallel_loop3A_310] {strides = array<i32>} : memref<2560xf32, #tpu.memory_space<vmem>>, vector<16xf32>,
      %parallel_loop3A_312 = arith.mulf %parallel_loop3A_134, %parallel_loop3A_311 : vector<16xf32>
      %parallel_loop3A_313 = arith.constant 368 : index
      %parallel_loop3A_314 = tpu.vector_load %arg15[%parallel_loop3A_313] {strides = array<i32>} : memref<2560xf32, #tpu.memory_space<vmem>>, vector<16xf32>,
      %parallel_loop3A_315 = arith.mulf %parallel_loop3A_140, %parallel_loop3A_314 : vector<16xf32>
      %parallel_loop3A_316 = arith.constant 384 : index
      %parallel_loop3A_317 = tpu.vector_load %arg15[%parallel_loop3A_316] {strides = array<i32>} : memref<2560xf32, #tpu.memory_space<vmem>>, vector<16xf32>,
      %parallel_loop3A_318 = arith.mulf %parallel_loop3A_146, %parallel_loop3A_317 : vector<16xf32>
      %parallel_loop3A_319 = arith.constant 400 : index
      %parallel_loop3A_320 = tpu.vector_load %arg15[%parallel_loop3A_319] {strides = array<i32>} : memref<2560xf32, #tpu.memory_space<vmem>>, vector<16xf32>,
      %parallel_loop3A_321 = arith.mulf %parallel_loop3A_152, %parallel_loop3A_320 : vector<16xf32>
      %parallel_loop3A_322 = arith.constant 416 : index
      %parallel_loop3A_323 = tpu.vector_load %arg15[%parallel_loop3A_322] {strides = array<i32>} : memref<2560xf32, #tpu.memory_space<vmem>>, vector<16xf32>,
      %parallel_loop3A_324 = arith.mulf %parallel_loop3A_158, %parallel_loop3A_323 : vector<16xf32>
      %parallel_loop3A_325 = arith.constant 432 : index
      %parallel_loop3A_326 = tpu.vector_load %arg15[%parallel_loop3A_325] {strides = array<i32>} : memref<2560xf32, #tpu.memory_space<vmem>>, vector<16xf32>,
      %parallel_loop3A_327 = arith.mulf %parallel_loop3A_164, %parallel_loop3A_326 : vector<16xf32>
      %parallel_loop3A_328 = arith.constant 448 : index
      %parallel_loop3A_329 = tpu.vector_load %arg15[%parallel_loop3A_328] {strides = array<i32>} : memref<2560xf32, #tpu.memory_space<vmem>>, vector<16xf32>,
      %parallel_loop3A_330 = arith.mulf %parallel_loop3A_170, %parallel_loop3A_329 : vector<16xf32>
      %parallel_loop3A_331 = arith.constant 464 : index
      %parallel_loop3A_332 = tpu.vector_load %arg15[%parallel_loop3A_331] {strides = array<i32>} : memref<2560xf32, #tpu.memory_space<vmem>>, vector<16xf32>,
      %parallel_loop3A_333 = arith.mulf %parallel_loop3A_176, %parallel_loop3A_332 : vector<16xf32>
      %parallel_loop3A_334 = arith.constant 480 : index
      %parallel_loop3A_335 = tpu.vector_load %arg15[%parallel_loop3A_334] {strides = array<i32>} : memref<2560xf32, #tpu.memory_space<vmem>>, vector<16xf32>,
      %parallel_loop3A_336 = arith.mulf %parallel_loop3A_182, %parallel_loop3A_335 : vector<16xf32>
      %parallel_loop3A_337 = arith.constant 496 : index
      %parallel_loop3A_338 = tpu.vector_load %arg15[%parallel_loop3A_337] {strides = array<i32>} : memref<2560xf32, #tpu.memory_space<vmem>>, vector<16xf32>,
      %parallel_loop3A_339 = arith.mulf %parallel_loop3A_188, %parallel_loop3A_338 : vector<16xf32>
      %parallel_loop3A_340 = arith.addf %parallel_loop3A_294, %parallel_loop3A_297 : vector<16xf32>
      %parallel_loop3A_341 = arith.addf %parallel_loop3A_300, %parallel_loop3A_303 : vector<16xf32>
      %parallel_loop3A_342 = arith.addf %parallel_loop3A_306, %parallel_loop3A_309 : vector<16xf32>
      %parallel_loop3A_343 = arith.addf %parallel_loop3A_312, %parallel_loop3A_315 : vector<16xf32>
      %parallel_loop3A_344 = arith.addf %parallel_loop3A_318, %parallel_loop3A_321 : vector<16xf32>
      %parallel_loop3A_345 = arith.addf %parallel_loop3A_324, %parallel_loop3A_327 : vector<16xf32>
      %parallel_loop3A_346 = arith.addf %parallel_loop3A_330, %parallel_loop3A_333 : vector<16xf32>
      %parallel_loop3A_347 = arith.addf %parallel_loop3A_336, %parallel_loop3A_339 : vector<16xf32>
      %parallel_loop3A_348 = arith.addf %parallel_loop3A_340, %parallel_loop3A_341 : vector<16xf32>
      %parallel_loop3A_349 = arith.addf %parallel_loop3A_342, %parallel_loop3A_343 : vector<16xf32>
      %parallel_loop3A_350 = arith.addf %parallel_loop3A_344, %parallel_loop3A_345 : vector<16xf32>
      %parallel_loop3A_351 = arith.addf %parallel_loop3A_346, %parallel_loop3A_347 : vector<16xf32>
      %parallel_loop3A_352 = arith.addf %parallel_loop3A_348, %parallel_loop3A_349 : vector<16xf32>
      %parallel_loop3A_353 = arith.addf %parallel_loop3A_350, %parallel_loop3A_351 : vector<16xf32>
      %parallel_loop3A_354 = arith.addf %parallel_loop3A_352, %parallel_loop3A_353 : vector<16xf32>
      %parallel_loop3A_355 = arith.addf %parallel_loop3A_354, %parallel_loop3A_291 : vector<16xf32>
      %parallel_loop3A_356 = arith.constant 1 : i32
      %parallel_loop3A_357 = vector.broadcast %parallel_loop3A_356 : i32 to vector<16xi32>
      %parallel_loop3A_358 = arith.addi %parallel_loop3A_206, %parallel_loop3A_357 : vector<16xi32>
      tpu.vector_store_idx %arg16[%parallel_loop3A_358], %parallel_loop3A_355 : memref<5120xf32, #tpu.memory_space<vmem>>[vector<16xi32>], vector<16xf32>,
      %parallel_loop3A_359 = arith.constant 2 : i32
      %parallel_loop3A_360 = vector.broadcast %parallel_loop3A_359 : i32 to vector<16xi32>
      %parallel_loop3A_361 = arith.addi %parallel_loop3A_193, %parallel_loop3A_360 : vector<16xi32>
      %parallel_loop3A_362 = tpu.vector_load_idx %arg14[%parallel_loop3A_361] : memref<310xf32, #tpu.memory_space<vmem>>[vector<16xi32>], vector<16xf32>,
      %parallel_loop3A_363 = arith.constant 2 : i32
      %parallel_loop3A_364 = vector.broadcast %parallel_loop3A_363 : i32 to vector<16xi32>
      %parallel_loop3A_365 = arith.addi %parallel_loop3A_201, %parallel_loop3A_364 : vector<16xi32>
      %parallel_loop3A_366 = tpu.vector_load_idx %arg14[%parallel_loop3A_365] : memref<310xf32, #tpu.memory_space<vmem>>[vector<16xi32>], vector<16xf32>,
      %parallel_loop3A_367 = arith.addf %parallel_loop3A_362, %parallel_loop3A_366 : vector<16xf32>
      %parallel_loop3A_368 = arith.constant 512 : index
      %parallel_loop3A_369 = tpu.vector_load %arg15[%parallel_loop3A_368] {strides = array<i32>} : memref<2560xf32, #tpu.memory_space<vmem>>, vector<16xf32>,
      %parallel_loop3A_370 = arith.mulf %parallel_loop3A_98, %parallel_loop3A_369 : vector<16xf32>
      %parallel_loop3A_371 = arith.constant 528 : index
      %parallel_loop3A_372 = tpu.vector_load %arg15[%parallel_loop3A_371] {strides = array<i32>} : memref<2560xf32, #tpu.memory_space<vmem>>, vector<16xf32>,
      %parallel_loop3A_373 = arith.mulf %parallel_loop3A_104, %parallel_loop3A_372 : vector<16xf32>
      %parallel_loop3A_374 = arith.constant 544 : index
      %parallel_loop3A_375 = tpu.vector_load %arg15[%parallel_loop3A_374] {strides = array<i32>} : memref<2560xf32, #tpu.memory_space<vmem>>, vector<16xf32>,
      %parallel_loop3A_376 = arith.mulf %parallel_loop3A_110, %parallel_loop3A_375 : vector<16xf32>
      %parallel_loop3A_377 = arith.constant 560 : index
      %parallel_loop3A_378 = tpu.vector_load %arg15[%parallel_loop3A_377] {strides = array<i32>} : memref<2560xf32, #tpu.memory_space<vmem>>, vector<16xf32>,
      %parallel_loop3A_379 = arith.mulf %parallel_loop3A_116, %parallel_loop3A_378 : vector<16xf32>
      %parallel_loop3A_380 = arith.constant 576 : index
      %parallel_loop3A_381 = tpu.vector_load %arg15[%parallel_loop3A_380] {strides = array<i32>} : memref<2560xf32, #tpu.memory_space<vmem>>, vector<16xf32>,
      %parallel_loop3A_382 = arith.mulf %parallel_loop3A_122, %parallel_loop3A_381 : vector<16xf32>
      %parallel_loop3A_383 = arith.constant 592 : index
      %parallel_loop3A_384 = tpu.vector_load %arg15[%parallel_loop3A_383] {strides = array<i32>} : memref<2560xf32, #tpu.memory_space<vmem>>, vector<16xf32>,
      %parallel_loop3A_385 = arith.mulf %parallel_loop3A_128, %parallel_loop3A_384 : vector<16xf32>
      %parallel_loop3A_386 = arith.constant 608 : index
      %parallel_loop3A_387 = tpu.vector_load %arg15[%parallel_loop3A_386] {strides = array<i32>} : memref<2560xf32, #tpu.memory_space<vmem>>, vector<16xf32>,
      %parallel_loop3A_388 = arith.mulf %parallel_loop3A_134, %parallel_loop3A_387 : vector<16xf32>
      %parallel_loop3A_389 = arith.constant 624 : index
      %parallel_loop3A_390 = tpu.vector_load %arg15[%parallel_loop3A_389] {strides = array<i32>} : memref<2560xf32, #tpu.memory_space<vmem>>, vector<16xf32>,
      %parallel_loop3A_391 = arith.mulf %parallel_loop3A_140, %parallel_loop3A_390 : vector<16xf32>
      %parallel_loop3A_392 = arith.constant 640 : index
      %parallel_loop3A_393 = tpu.vector_load %arg15[%parallel_loop3A_392] {strides = array<i32>} : memref<2560xf32, #tpu.memory_space<vmem>>, vector<16xf32>,
      %parallel_loop3A_394 = arith.mulf %parallel_loop3A_146, %parallel_loop3A_393 : vector<16xf32>
      %parallel_loop3A_395 = arith.constant 656 : index
      %parallel_loop3A_396 = tpu.vector_load %arg15[%parallel_loop3A_395] {strides = array<i32>} : memref<2560xf32, #tpu.memory_space<vmem>>, vector<16xf32>,
      %parallel_loop3A_397 = arith.mulf %parallel_loop3A_152, %parallel_loop3A_396 : vector<16xf32>
      %parallel_loop3A_398 = arith.constant 672 : index
      %parallel_loop3A_399 = tpu.vector_load %arg15[%parallel_loop3A_398] {strides = array<i32>} : memref<2560xf32, #tpu.memory_space<vmem>>, vector<16xf32>,
      %parallel_loop3A_400 = arith.mulf %parallel_loop3A_158, %parallel_loop3A_399 : vector<16xf32>
      %parallel_loop3A_401 = arith.constant 688 : index
      %parallel_loop3A_402 = tpu.vector_load %arg15[%parallel_loop3A_401] {strides = array<i32>} : memref<2560xf32, #tpu.memory_space<vmem>>, vector<16xf32>,
      %parallel_loop3A_403 = arith.mulf %parallel_loop3A_164, %parallel_loop3A_402 : vector<16xf32>
      %parallel_loop3A_404 = arith.constant 704 : index
      %parallel_loop3A_405 = tpu.vector_load %arg15[%parallel_loop3A_404] {strides = array<i32>} : memref<2560xf32, #tpu.memory_space<vmem>>, vector<16xf32>,
      %parallel_loop3A_406 = arith.mulf %parallel_loop3A_170, %parallel_loop3A_405 : vector<16xf32>
      %parallel_loop3A_407 = arith.constant 720 : index
      %parallel_loop3A_408 = tpu.vector_load %arg15[%parallel_loop3A_407] {strides = array<i32>} : memref<2560xf32, #tpu.memory_space<vmem>>, vector<16xf32>,
      %parallel_loop3A_409 = arith.mulf %parallel_loop3A_176, %parallel_loop3A_408 : vector<16xf32>
      %parallel_loop3A_410 = arith.constant 736 : index
      %parallel_loop3A_411 = tpu.vector_load %arg15[%parallel_loop3A_410] {strides = array<i32>} : memref<2560xf32, #tpu.memory_space<vmem>>, vector<16xf32>,
      %parallel_loop3A_412 = arith.mulf %parallel_loop3A_182, %parallel_loop3A_411 : vector<16xf32>
      %parallel_loop3A_413 = arith.constant 752 : index
      %parallel_loop3A_414 = tpu.vector_load %arg15[%parallel_loop3A_413] {strides = array<i32>} : memref<2560xf32, #tpu.memory_space<vmem>>, vector<16xf32>,
      %parallel_loop3A_415 = arith.mulf %parallel_loop3A_188, %parallel_loop3A_414 : vector<16xf32>
      %parallel_loop3A_416 = arith.addf %parallel_loop3A_370, %parallel_loop3A_373 : vector<16xf32>
      %parallel_loop3A_417 = arith.addf %parallel_loop3A_376, %parallel_loop3A_379 : vector<16xf32>
      %parallel_loop3A_418 = arith.addf %parallel_loop3A_382, %parallel_loop3A_385 : vector<16xf32>
      %parallel_loop3A_419 = arith.addf %parallel_loop3A_388, %parallel_loop3A_391 : vector<16xf32>
      %parallel_loop3A_420 = arith.addf %parallel_loop3A_394, %parallel_loop3A_397 : vector<16xf32>
      %parallel_loop3A_421 = arith.addf %parallel_loop3A_400, %parallel_loop3A_403 : vector<16xf32>
      %parallel_loop3A_422 = arith.addf %parallel_loop3A_406, %parallel_loop3A_409 : vector<16xf32>
      %parallel_loop3A_423 = arith.addf %parallel_loop3A_412, %parallel_loop3A_415 : vector<16xf32>
      %parallel_loop3A_424 = arith.addf %parallel_loop3A_416, %parallel_loop3A_417 : vector<16xf32>
      %parallel_loop3A_425 = arith.addf %parallel_loop3A_418, %parallel_loop3A_419 : vector<16xf32>
      %parallel_loop3A_426 = arith.addf %parallel_loop3A_420, %parallel_loop3A_421 : vector<16xf32>
      %parallel_loop3A_427 = arith.addf %parallel_loop3A_422, %parallel_loop3A_423 : vector<16xf32>
      %parallel_loop3A_428 = arith.addf %parallel_loop3A_424, %parallel_loop3A_425 : vector<16xf32>
      %parallel_loop3A_429 = arith.addf %parallel_loop3A_426, %parallel_loop3A_427 : vector<16xf32>
      %parallel_loop3A_430 = arith.addf %parallel_loop3A_428, %parallel_loop3A_429 : vector<16xf32>
      %parallel_loop3A_431 = arith.addf %parallel_loop3A_430, %parallel_loop3A_367 : vector<16xf32>
      %parallel_loop3A_432 = arith.constant 2 : i32
      %parallel_loop3A_433 = vector.broadcast %parallel_loop3A_432 : i32 to vector<16xi32>
      %parallel_loop3A_434 = arith.addi %parallel_loop3A_206, %parallel_loop3A_433 : vector<16xi32>
      tpu.vector_store_idx %arg16[%parallel_loop3A_434], %parallel_loop3A_431 : memref<5120xf32, #tpu.memory_space<vmem>>[vector<16xi32>], vector<16xf32>,
      %parallel_loop3A_435 = arith.constant 3 : i32
      %parallel_loop3A_436 = vector.broadcast %parallel_loop3A_435 : i32 to vector<16xi32>
      %parallel_loop3A_437 = arith.addi %parallel_loop3A_193, %parallel_loop3A_436 : vector<16xi32>
      %parallel_loop3A_438 = tpu.vector_load_idx %arg14[%parallel_loop3A_437] : memref<310xf32, #tpu.memory_space<vmem>>[vector<16xi32>], vector<16xf32>,
      %parallel_loop3A_439 = arith.constant 3 : i32
      %parallel_loop3A_440 = vector.broadcast %parallel_loop3A_439 : i32 to vector<16xi32>
      %parallel_loop3A_441 = arith.addi %parallel_loop3A_201, %parallel_loop3A_440 : vector<16xi32>
      %parallel_loop3A_442 = tpu.vector_load_idx %arg14[%parallel_loop3A_441] : memref<310xf32, #tpu.memory_space<vmem>>[vector<16xi32>], vector<16xf32>,
      %parallel_loop3A_443 = arith.addf %parallel_loop3A_438, %parallel_loop3A_442 : vector<16xf32>
      %parallel_loop3A_444 = arith.constant 768 : index
      %parallel_loop3A_445 = tpu.vector_load %arg15[%parallel_loop3A_444] {strides = array<i32>} : memref<2560xf32, #tpu.memory_space<vmem>>, vector<16xf32>,
      %parallel_loop3A_446 = arith.mulf %parallel_loop3A_98, %parallel_loop3A_445 : vector<16xf32>
      %parallel_loop3A_447 = arith.constant 784 : index
      %parallel_loop3A_448 = tpu.vector_load %arg15[%parallel_loop3A_447] {strides = array<i32>} : memref<2560xf32, #tpu.memory_space<vmem>>, vector<16xf32>,
      %parallel_loop3A_449 = arith.mulf %parallel_loop3A_104, %parallel_loop3A_448 : vector<16xf32>
      %parallel_loop3A_450 = arith.constant 800 : index
      %parallel_loop3A_451 = tpu.vector_load %arg15[%parallel_loop3A_450] {strides = array<i32>} : memref<2560xf32, #tpu.memory_space<vmem>>, vector<16xf32>,
      %parallel_loop3A_452 = arith.mulf %parallel_loop3A_110, %parallel_loop3A_451 : vector<16xf32>
      %parallel_loop3A_453 = arith.constant 816 : index
      %parallel_loop3A_454 = tpu.vector_load %arg15[%parallel_loop3A_453] {strides = array<i32>} : memref<2560xf32, #tpu.memory_space<vmem>>, vector<16xf32>,
      %parallel_loop3A_455 = arith.mulf %parallel_loop3A_116, %parallel_loop3A_454 : vector<16xf32>
      %parallel_loop3A_456 = arith.constant 832 : index
      %parallel_loop3A_457 = tpu.vector_load %arg15[%parallel_loop3A_456] {strides = array<i32>} : memref<2560xf32, #tpu.memory_space<vmem>>, vector<16xf32>,
      %parallel_loop3A_458 = arith.mulf %parallel_loop3A_122, %parallel_loop3A_457 : vector<16xf32>
      %parallel_loop3A_459 = arith.constant 848 : index
      %parallel_loop3A_460 = tpu.vector_load %arg15[%parallel_loop3A_459] {strides = array<i32>} : memref<2560xf32, #tpu.memory_space<vmem>>, vector<16xf32>,
      %parallel_loop3A_461 = arith.mulf %parallel_loop3A_128, %parallel_loop3A_460 : vector<16xf32>
      %parallel_loop3A_462 = arith.constant 864 : index
      %parallel_loop3A_463 = tpu.vector_load %arg15[%parallel_loop3A_462] {strides = array<i32>} : memref<2560xf32, #tpu.memory_space<vmem>>, vector<16xf32>,
      %parallel_loop3A_464 = arith.mulf %parallel_loop3A_134, %parallel_loop3A_463 : vector<16xf32>
      %parallel_loop3A_465 = arith.constant 880 : index
      %parallel_loop3A_466 = tpu.vector_load %arg15[%parallel_loop3A_465] {strides = array<i32>} : memref<2560xf32, #tpu.memory_space<vmem>>, vector<16xf32>,
      %parallel_loop3A_467 = arith.mulf %parallel_loop3A_140, %parallel_loop3A_466 : vector<16xf32>
      %parallel_loop3A_468 = arith.constant 896 : index
      %parallel_loop3A_469 = tpu.vector_load %arg15[%parallel_loop3A_468] {strides = array<i32>} : memref<2560xf32, #tpu.memory_space<vmem>>, vector<16xf32>,
      %parallel_loop3A_470 = arith.mulf %parallel_loop3A_146, %parallel_loop3A_469 : vector<16xf32>
      %parallel_loop3A_471 = arith.constant 912 : index
      %parallel_loop3A_472 = tpu.vector_load %arg15[%parallel_loop3A_471] {strides = array<i32>} : memref<2560xf32, #tpu.memory_space<vmem>>, vector<16xf32>,
      %parallel_loop3A_473 = arith.mulf %parallel_loop3A_152, %parallel_loop3A_472 : vector<16xf32>
      %parallel_loop3A_474 = arith.constant 928 : index
      %parallel_loop3A_475 = tpu.vector_load %arg15[%parallel_loop3A_474] {strides = array<i32>} : memref<2560xf32, #tpu.memory_space<vmem>>, vector<16xf32>,
      %parallel_loop3A_476 = arith.mulf %parallel_loop3A_158, %parallel_loop3A_475 : vector<16xf32>
      %parallel_loop3A_477 = arith.constant 944 : index
      %parallel_loop3A_478 = tpu.vector_load %arg15[%parallel_loop3A_477] {strides = array<i32>} : memref<2560xf32, #tpu.memory_space<vmem>>, vector<16xf32>,
      %parallel_loop3A_479 = arith.mulf %parallel_loop3A_164, %parallel_loop3A_478 : vector<16xf32>
      %parallel_loop3A_480 = arith.constant 960 : index
      %parallel_loop3A_481 = tpu.vector_load %arg15[%parallel_loop3A_480] {strides = array<i32>} : memref<2560xf32, #tpu.memory_space<vmem>>, vector<16xf32>,
      %parallel_loop3A_482 = arith.mulf %parallel_loop3A_170, %parallel_loop3A_481 : vector<16xf32>
      %parallel_loop3A_483 = arith.constant 976 : index
      %parallel_loop3A_484 = tpu.vector_load %arg15[%parallel_loop3A_483] {strides = array<i32>} : memref<2560xf32, #tpu.memory_space<vmem>>, vector<16xf32>,
      %parallel_loop3A_485 = arith.mulf %parallel_loop3A_176, %parallel_loop3A_484 : vector<16xf32>
      %parallel_loop3A_486 = arith.constant 992 : index
      %parallel_loop3A_487 = tpu.vector_load %arg15[%parallel_loop3A_486] {strides = array<i32>} : memref<2560xf32, #tpu.memory_space<vmem>>, vector<16xf32>,
      %parallel_loop3A_488 = arith.mulf %parallel_loop3A_182, %parallel_loop3A_487 : vector<16xf32>
      %parallel_loop3A_489 = arith.constant 1008 : index
      %parallel_loop3A_490 = tpu.vector_load %arg15[%parallel_loop3A_489] {strides = array<i32>} : memref<2560xf32, #tpu.memory_space<vmem>>, vector<16xf32>,
      %parallel_loop3A_491 = arith.mulf %parallel_loop3A_188, %parallel_loop3A_490 : vector<16xf32>
      %parallel_loop3A_492 = arith.addf %parallel_loop3A_446, %parallel_loop3A_449 : vector<16xf32>
      %parallel_loop3A_493 = arith.addf %parallel_loop3A_452, %parallel_loop3A_455 : vector<16xf32>
      %parallel_loop3A_494 = arith.addf %parallel_loop3A_458, %parallel_loop3A_461 : vector<16xf32>
      %parallel_loop3A_495 = arith.addf %parallel_loop3A_464, %parallel_loop3A_467 : vector<16xf32>
      %parallel_loop3A_496 = arith.addf %parallel_loop3A_470, %parallel_loop3A_473 : vector<16xf32>
      %parallel_loop3A_497 = arith.addf %parallel_loop3A_476, %parallel_loop3A_479 : vector<16xf32>
      %parallel_loop3A_498 = arith.addf %parallel_loop3A_482, %parallel_loop3A_485 : vector<16xf32>
      %parallel_loop3A_499 = arith.addf %parallel_loop3A_488, %parallel_loop3A_491 : vector<16xf32>
      %parallel_loop3A_500 = arith.addf %parallel_loop3A_492, %parallel_loop3A_493 : vector<16xf32>
      %parallel_loop3A_501 = arith.addf %parallel_loop3A_494, %parallel_loop3A_495 : vector<16xf32>
      %parallel_loop3A_502 = arith.addf %parallel_loop3A_496, %parallel_loop3A_497 : vector<16xf32>
      %parallel_loop3A_503 = arith.addf %parallel_loop3A_498, %parallel_loop3A_499 : vector<16xf32>
      %parallel_loop3A_504 = arith.addf %parallel_loop3A_500, %parallel_loop3A_501 : vector<16xf32>
      %parallel_loop3A_505 = arith.addf %parallel_loop3A_502, %parallel_loop3A_503 : vector<16xf32>
      %parallel_loop3A_506 = arith.addf %parallel_loop3A_504, %parallel_loop3A_505 : vector<16xf32>
      %parallel_loop3A_507 = arith.addf %parallel_loop3A_506, %parallel_loop3A_443 : vector<16xf32>
      %parallel_loop3A_508 = arith.constant 3 : i32
      %parallel_loop3A_509 = vector.broadcast %parallel_loop3A_508 : i32 to vector<16xi32>
      %parallel_loop3A_510 = arith.addi %parallel_loop3A_206, %parallel_loop3A_509 : vector<16xi32>
      tpu.vector_store_idx %arg16[%parallel_loop3A_510], %parallel_loop3A_507 : memref<5120xf32, #tpu.memory_space<vmem>>[vector<16xi32>], vector<16xf32>,
      %parallel_loop3A_511 = arith.constant 4 : i32
      %parallel_loop3A_512 = vector.broadcast %parallel_loop3A_511 : i32 to vector<16xi32>
      %parallel_loop3A_513 = arith.addi %parallel_loop3A_193, %parallel_loop3A_512 : vector<16xi32>
      %parallel_loop3A_514 = tpu.vector_load_idx %arg14[%parallel_loop3A_513] : memref<310xf32, #tpu.memory_space<vmem>>[vector<16xi32>], vector<16xf32>,
      %parallel_loop3A_515 = arith.constant 4 : i32
      %parallel_loop3A_516 = vector.broadcast %parallel_loop3A_515 : i32 to vector<16xi32>
      %parallel_loop3A_517 = arith.addi %parallel_loop3A_201, %parallel_loop3A_516 : vector<16xi32>
      %parallel_loop3A_518 = tpu.vector_load_idx %arg14[%parallel_loop3A_517] : memref<310xf32, #tpu.memory_space<vmem>>[vector<16xi32>], vector<16xf32>,
      %parallel_loop3A_519 = arith.addf %parallel_loop3A_514, %parallel_loop3A_518 : vector<16xf32>
      %parallel_loop3A_520 = arith.constant 1024 : index
      %parallel_loop3A_521 = tpu.vector_load %arg15[%parallel_loop3A_520] {strides = array<i32>} : memref<2560xf32, #tpu.memory_space<vmem>>, vector<16xf32>,
      %parallel_loop3A_522 = arith.mulf %parallel_loop3A_98, %parallel_loop3A_521 : vector<16xf32>
      %parallel_loop3A_523 = arith.constant 1040 : index
      %parallel_loop3A_524 = tpu.vector_load %arg15[%parallel_loop3A_523] {strides = array<i32>} : memref<2560xf32, #tpu.memory_space<vmem>>, vector<16xf32>,
      %parallel_loop3A_525 = arith.mulf %parallel_loop3A_104, %parallel_loop3A_524 : vector<16xf32>
      %parallel_loop3A_526 = arith.constant 1056 : index
      %parallel_loop3A_527 = tpu.vector_load %arg15[%parallel_loop3A_526] {strides = array<i32>} : memref<2560xf32, #tpu.memory_space<vmem>>, vector<16xf32>,
      %parallel_loop3A_528 = arith.mulf %parallel_loop3A_110, %parallel_loop3A_527 : vector<16xf32>
      %parallel_loop3A_529 = arith.constant 1072 : index
      %parallel_loop3A_530 = tpu.vector_load %arg15[%parallel_loop3A_529] {strides = array<i32>} : memref<2560xf32, #tpu.memory_space<vmem>>, vector<16xf32>,
      %parallel_loop3A_531 = arith.mulf %parallel_loop3A_116, %parallel_loop3A_530 : vector<16xf32>
      %parallel_loop3A_532 = arith.constant 1088 : index
      %parallel_loop3A_533 = tpu.vector_load %arg15[%parallel_loop3A_532] {strides = array<i32>} : memref<2560xf32, #tpu.memory_space<vmem>>, vector<16xf32>,
      %parallel_loop3A_534 = arith.mulf %parallel_loop3A_122, %parallel_loop3A_533 : vector<16xf32>
      %parallel_loop3A_535 = arith.constant 1104 : index
      %parallel_loop3A_536 = tpu.vector_load %arg15[%parallel_loop3A_535] {strides = array<i32>} : memref<2560xf32, #tpu.memory_space<vmem>>, vector<16xf32>,
      %parallel_loop3A_537 = arith.mulf %parallel_loop3A_128, %parallel_loop3A_536 : vector<16xf32>
      %parallel_loop3A_538 = arith.constant 1120 : index
      %parallel_loop3A_539 = tpu.vector_load %arg15[%parallel_loop3A_538] {strides = array<i32>} : memref<2560xf32, #tpu.memory_space<vmem>>, vector<16xf32>,
      %parallel_loop3A_540 = arith.mulf %parallel_loop3A_134, %parallel_loop3A_539 : vector<16xf32>
      %parallel_loop3A_541 = arith.constant 1136 : index
      %parallel_loop3A_542 = tpu.vector_load %arg15[%parallel_loop3A_541] {strides = array<i32>} : memref<2560xf32, #tpu.memory_space<vmem>>, vector<16xf32>,
      %parallel_loop3A_543 = arith.mulf %parallel_loop3A_140, %parallel_loop3A_542 : vector<16xf32>
      %parallel_loop3A_544 = arith.constant 1152 : index
      %parallel_loop3A_545 = tpu.vector_load %arg15[%parallel_loop3A_544] {strides = array<i32>} : memref<2560xf32, #tpu.memory_space<vmem>>, vector<16xf32>,
      %parallel_loop3A_546 = arith.mulf %parallel_loop3A_146, %parallel_loop3A_545 : vector<16xf32>
      %parallel_loop3A_547 = arith.constant 1168 : index
      %parallel_loop3A_548 = tpu.vector_load %arg15[%parallel_loop3A_547] {strides = array<i32>} : memref<2560xf32, #tpu.memory_space<vmem>>, vector<16xf32>,
      %parallel_loop3A_549 = arith.mulf %parallel_loop3A_152, %parallel_loop3A_548 : vector<16xf32>
      %parallel_loop3A_550 = arith.constant 1184 : index
      %parallel_loop3A_551 = tpu.vector_load %arg15[%parallel_loop3A_550] {strides = array<i32>} : memref<2560xf32, #tpu.memory_space<vmem>>, vector<16xf32>,
      %parallel_loop3A_552 = arith.mulf %parallel_loop3A_158, %parallel_loop3A_551 : vector<16xf32>
      %parallel_loop3A_553 = arith.constant 1200 : index
      %parallel_loop3A_554 = tpu.vector_load %arg15[%parallel_loop3A_553] {strides = array<i32>} : memref<2560xf32, #tpu.memory_space<vmem>>, vector<16xf32>,
      %parallel_loop3A_555 = arith.mulf %parallel_loop3A_164, %parallel_loop3A_554 : vector<16xf32>
      %parallel_loop3A_556 = arith.constant 1216 : index
      %parallel_loop3A_557 = tpu.vector_load %arg15[%parallel_loop3A_556] {strides = array<i32>} : memref<2560xf32, #tpu.memory_space<vmem>>, vector<16xf32>,
      %parallel_loop3A_558 = arith.mulf %parallel_loop3A_170, %parallel_loop3A_557 : vector<16xf32>
      %parallel_loop3A_559 = arith.constant 1232 : index
      %parallel_loop3A_560 = tpu.vector_load %arg15[%parallel_loop3A_559] {strides = array<i32>} : memref<2560xf32, #tpu.memory_space<vmem>>, vector<16xf32>,
      %parallel_loop3A_561 = arith.mulf %parallel_loop3A_176, %parallel_loop3A_560 : vector<16xf32>
      %parallel_loop3A_562 = arith.constant 1248 : index
      %parallel_loop3A_563 = tpu.vector_load %arg15[%parallel_loop3A_562] {strides = array<i32>} : memref<2560xf32, #tpu.memory_space<vmem>>, vector<16xf32>,
      %parallel_loop3A_564 = arith.mulf %parallel_loop3A_182, %parallel_loop3A_563 : vector<16xf32>
      %parallel_loop3A_565 = arith.constant 1264 : index
      %parallel_loop3A_566 = tpu.vector_load %arg15[%parallel_loop3A_565] {strides = array<i32>} : memref<2560xf32, #tpu.memory_space<vmem>>, vector<16xf32>,
      %parallel_loop3A_567 = arith.mulf %parallel_loop3A_188, %parallel_loop3A_566 : vector<16xf32>
      %parallel_loop3A_568 = arith.addf %parallel_loop3A_522, %parallel_loop3A_525 : vector<16xf32>
      %parallel_loop3A_569 = arith.addf %parallel_loop3A_528, %parallel_loop3A_531 : vector<16xf32>
      %parallel_loop3A_570 = arith.addf %parallel_loop3A_534, %parallel_loop3A_537 : vector<16xf32>
      %parallel_loop3A_571 = arith.addf %parallel_loop3A_540, %parallel_loop3A_543 : vector<16xf32>
      %parallel_loop3A_572 = arith.addf %parallel_loop3A_546, %parallel_loop3A_549 : vector<16xf32>
      %parallel_loop3A_573 = arith.addf %parallel_loop3A_552, %parallel_loop3A_555 : vector<16xf32>
      %parallel_loop3A_574 = arith.addf %parallel_loop3A_558, %parallel_loop3A_561 : vector<16xf32>
      %parallel_loop3A_575 = arith.addf %parallel_loop3A_564, %parallel_loop3A_567 : vector<16xf32>
      %parallel_loop3A_576 = arith.addf %parallel_loop3A_568, %parallel_loop3A_569 : vector<16xf32>
      %parallel_loop3A_577 = arith.addf %parallel_loop3A_570, %parallel_loop3A_571 : vector<16xf32>
      %parallel_loop3A_578 = arith.addf %parallel_loop3A_572, %parallel_loop3A_573 : vector<16xf32>
      %parallel_loop3A_579 = arith.addf %parallel_loop3A_574, %parallel_loop3A_575 : vector<16xf32>
      %parallel_loop3A_580 = arith.addf %parallel_loop3A_576, %parallel_loop3A_577 : vector<16xf32>
      %parallel_loop3A_581 = arith.addf %parallel_loop3A_578, %parallel_loop3A_579 : vector<16xf32>
      %parallel_loop3A_582 = arith.addf %parallel_loop3A_580, %parallel_loop3A_581 : vector<16xf32>
      %parallel_loop3A_583 = arith.addf %parallel_loop3A_582, %parallel_loop3A_519 : vector<16xf32>
      %parallel_loop3A_584 = arith.constant 4 : i32
      %parallel_loop3A_585 = vector.broadcast %parallel_loop3A_584 : i32 to vector<16xi32>
      %parallel_loop3A_586 = arith.addi %parallel_loop3A_206, %parallel_loop3A_585 : vector<16xi32>
      tpu.vector_store_idx %arg16[%parallel_loop3A_586], %parallel_loop3A_583 : memref<5120xf32, #tpu.memory_space<vmem>>[vector<16xi32>], vector<16xf32>,
      %parallel_loop3A_587 = arith.constant 5 : i32
      %parallel_loop3A_588 = vector.broadcast %parallel_loop3A_587 : i32 to vector<16xi32>
      %parallel_loop3A_589 = arith.addi %parallel_loop3A_193, %parallel_loop3A_588 : vector<16xi32>
      %parallel_loop3A_590 = tpu.vector_load_idx %arg14[%parallel_loop3A_589] : memref<310xf32, #tpu.memory_space<vmem>>[vector<16xi32>], vector<16xf32>,
      %parallel_loop3A_591 = arith.constant 5 : i32
      %parallel_loop3A_592 = vector.broadcast %parallel_loop3A_591 : i32 to vector<16xi32>
      %parallel_loop3A_593 = arith.addi %parallel_loop3A_201, %parallel_loop3A_592 : vector<16xi32>
      %parallel_loop3A_594 = tpu.vector_load_idx %arg14[%parallel_loop3A_593] : memref<310xf32, #tpu.memory_space<vmem>>[vector<16xi32>], vector<16xf32>,
      %parallel_loop3A_595 = arith.addf %parallel_loop3A_590, %parallel_loop3A_594 : vector<16xf32>
      %parallel_loop3A_596 = arith.constant 1280 : index
      %parallel_loop3A_597 = tpu.vector_load %arg15[%parallel_loop3A_596] {strides = array<i32>} : memref<2560xf32, #tpu.memory_space<vmem>>, vector<16xf32>,
      %parallel_loop3A_598 = arith.mulf %parallel_loop3A_98, %parallel_loop3A_597 : vector<16xf32>
      %parallel_loop3A_599 = arith.constant 1296 : index
      %parallel_loop3A_600 = tpu.vector_load %arg15[%parallel_loop3A_599] {strides = array<i32>} : memref<2560xf32, #tpu.memory_space<vmem>>, vector<16xf32>,
      %parallel_loop3A_601 = arith.mulf %parallel_loop3A_104, %parallel_loop3A_600 : vector<16xf32>
      %parallel_loop3A_602 = arith.constant 1312 : index
      %parallel_loop3A_603 = tpu.vector_load %arg15[%parallel_loop3A_602] {strides = array<i32>} : memref<2560xf32, #tpu.memory_space<vmem>>, vector<16xf32>,
      %parallel_loop3A_604 = arith.mulf %parallel_loop3A_110, %parallel_loop3A_603 : vector<16xf32>
      %parallel_loop3A_605 = arith.constant 1328 : index
      %parallel_loop3A_606 = tpu.vector_load %arg15[%parallel_loop3A_605] {strides = array<i32>} : memref<2560xf32, #tpu.memory_space<vmem>>, vector<16xf32>,
      %parallel_loop3A_607 = arith.mulf %parallel_loop3A_116, %parallel_loop3A_606 : vector<16xf32>
      %parallel_loop3A_608 = arith.constant 1344 : index
      %parallel_loop3A_609 = tpu.vector_load %arg15[%parallel_loop3A_608] {strides = array<i32>} : memref<2560xf32, #tpu.memory_space<vmem>>, vector<16xf32>,
      %parallel_loop3A_610 = arith.mulf %parallel_loop3A_122, %parallel_loop3A_609 : vector<16xf32>
      %parallel_loop3A_611 = arith.constant 1360 : index
      %parallel_loop3A_612 = tpu.vector_load %arg15[%parallel_loop3A_611] {strides = array<i32>} : memref<2560xf32, #tpu.memory_space<vmem>>, vector<16xf32>,
      %parallel_loop3A_613 = arith.mulf %parallel_loop3A_128, %parallel_loop3A_612 : vector<16xf32>
      %parallel_loop3A_614 = arith.constant 1376 : index
      %parallel_loop3A_615 = tpu.vector_load %arg15[%parallel_loop3A_614] {strides = array<i32>} : memref<2560xf32, #tpu.memory_space<vmem>>, vector<16xf32>,
      %parallel_loop3A_616 = arith.mulf %parallel_loop3A_134, %parallel_loop3A_615 : vector<16xf32>
      %parallel_loop3A_617 = arith.constant 1392 : index
      %parallel_loop3A_618 = tpu.vector_load %arg15[%parallel_loop3A_617] {strides = array<i32>} : memref<2560xf32, #tpu.memory_space<vmem>>, vector<16xf32>,
      %parallel_loop3A_619 = arith.mulf %parallel_loop3A_140, %parallel_loop3A_618 : vector<16xf32>
      %parallel_loop3A_620 = arith.constant 1408 : index
      %parallel_loop3A_621 = tpu.vector_load %arg15[%parallel_loop3A_620] {strides = array<i32>} : memref<2560xf32, #tpu.memory_space<vmem>>, vector<16xf32>,
      %parallel_loop3A_622 = arith.mulf %parallel_loop3A_146, %parallel_loop3A_621 : vector<16xf32>
      %parallel_loop3A_623 = arith.constant 1424 : index
      %parallel_loop3A_624 = tpu.vector_load %arg15[%parallel_loop3A_623] {strides = array<i32>} : memref<2560xf32, #tpu.memory_space<vmem>>, vector<16xf32>,
      %parallel_loop3A_625 = arith.mulf %parallel_loop3A_152, %parallel_loop3A_624 : vector<16xf32>
      %parallel_loop3A_626 = arith.constant 1440 : index
      %parallel_loop3A_627 = tpu.vector_load %arg15[%parallel_loop3A_626] {strides = array<i32>} : memref<2560xf32, #tpu.memory_space<vmem>>, vector<16xf32>,
      %parallel_loop3A_628 = arith.mulf %parallel_loop3A_158, %parallel_loop3A_627 : vector<16xf32>
      %parallel_loop3A_629 = arith.constant 1456 : index
      %parallel_loop3A_630 = tpu.vector_load %arg15[%parallel_loop3A_629] {strides = array<i32>} : memref<2560xf32, #tpu.memory_space<vmem>>, vector<16xf32>,
      %parallel_loop3A_631 = arith.mulf %parallel_loop3A_164, %parallel_loop3A_630 : vector<16xf32>
      %parallel_loop3A_632 = arith.constant 1472 : index
      %parallel_loop3A_633 = tpu.vector_load %arg15[%parallel_loop3A_632] {strides = array<i32>} : memref<2560xf32, #tpu.memory_space<vmem>>, vector<16xf32>,
      %parallel_loop3A_634 = arith.mulf %parallel_loop3A_170, %parallel_loop3A_633 : vector<16xf32>
      %parallel_loop3A_635 = arith.constant 1488 : index
      %parallel_loop3A_636 = tpu.vector_load %arg15[%parallel_loop3A_635] {strides = array<i32>} : memref<2560xf32, #tpu.memory_space<vmem>>, vector<16xf32>,
      %parallel_loop3A_637 = arith.mulf %parallel_loop3A_176, %parallel_loop3A_636 : vector<16xf32>
      %parallel_loop3A_638 = arith.constant 1504 : index
      %parallel_loop3A_639 = tpu.vector_load %arg15[%parallel_loop3A_638] {strides = array<i32>} : memref<2560xf32, #tpu.memory_space<vmem>>, vector<16xf32>,
      %parallel_loop3A_640 = arith.mulf %parallel_loop3A_182, %parallel_loop3A_639 : vector<16xf32>
      %parallel_loop3A_641 = arith.constant 1520 : index
      %parallel_loop3A_642 = tpu.vector_load %arg15[%parallel_loop3A_641] {strides = array<i32>} : memref<2560xf32, #tpu.memory_space<vmem>>, vector<16xf32>,
      %parallel_loop3A_643 = arith.mulf %parallel_loop3A_188, %parallel_loop3A_642 : vector<16xf32>
      %parallel_loop3A_644 = arith.addf %parallel_loop3A_598, %parallel_loop3A_601 : vector<16xf32>
      %parallel_loop3A_645 = arith.addf %parallel_loop3A_604, %parallel_loop3A_607 : vector<16xf32>
      %parallel_loop3A_646 = arith.addf %parallel_loop3A_610, %parallel_loop3A_613 : vector<16xf32>
      %parallel_loop3A_647 = arith.addf %parallel_loop3A_616, %parallel_loop3A_619 : vector<16xf32>
      %parallel_loop3A_648 = arith.addf %parallel_loop3A_622, %parallel_loop3A_625 : vector<16xf32>
      %parallel_loop3A_649 = arith.addf %parallel_loop3A_628, %parallel_loop3A_631 : vector<16xf32>
      %parallel_loop3A_650 = arith.addf %parallel_loop3A_634, %parallel_loop3A_637 : vector<16xf32>
      %parallel_loop3A_651 = arith.addf %parallel_loop3A_640, %parallel_loop3A_643 : vector<16xf32>
      %parallel_loop3A_652 = arith.addf %parallel_loop3A_644, %parallel_loop3A_645 : vector<16xf32>
      %parallel_loop3A_653 = arith.addf %parallel_loop3A_646, %parallel_loop3A_647 : vector<16xf32>
      %parallel_loop3A_654 = arith.addf %parallel_loop3A_648, %parallel_loop3A_649 : vector<16xf32>
      %parallel_loop3A_655 = arith.addf %parallel_loop3A_650, %parallel_loop3A_651 : vector<16xf32>
      %parallel_loop3A_656 = arith.addf %parallel_loop3A_652, %parallel_loop3A_653 : vector<16xf32>
      %parallel_loop3A_657 = arith.addf %parallel_loop3A_654, %parallel_loop3A_655 : vector<16xf32>
      %parallel_loop3A_658 = arith.addf %parallel_loop3A_656, %parallel_loop3A_657 : vector<16xf32>
      %parallel_loop3A_659 = arith.addf %parallel_loop3A_658, %parallel_loop3A_595 : vector<16xf32>
      %parallel_loop3A_660 = arith.constant 5 : i32
      %parallel_loop3A_661 = vector.broadcast %parallel_loop3A_660 : i32 to vector<16xi32>
      %parallel_loop3A_662 = arith.addi %parallel_loop3A_206, %parallel_loop3A_661 : vector<16xi32>
      tpu.vector_store_idx %arg16[%parallel_loop3A_662], %parallel_loop3A_659 : memref<5120xf32, #tpu.memory_space<vmem>>[vector<16xi32>], vector<16xf32>,
      %parallel_loop3A_663 = arith.constant 6 : i32
      %parallel_loop3A_664 = vector.broadcast %parallel_loop3A_663 : i32 to vector<16xi32>
      %parallel_loop3A_665 = arith.addi %parallel_loop3A_193, %parallel_loop3A_664 : vector<16xi32>
      %parallel_loop3A_666 = tpu.vector_load_idx %arg14[%parallel_loop3A_665] : memref<310xf32, #tpu.memory_space<vmem>>[vector<16xi32>], vector<16xf32>,
      %parallel_loop3A_667 = arith.constant 6 : i32
      %parallel_loop3A_668 = vector.broadcast %parallel_loop3A_667 : i32 to vector<16xi32>
      %parallel_loop3A_669 = arith.addi %parallel_loop3A_201, %parallel_loop3A_668 : vector<16xi32>
      %parallel_loop3A_670 = tpu.vector_load_idx %arg14[%parallel_loop3A_669] : memref<310xf32, #tpu.memory_space<vmem>>[vector<16xi32>], vector<16xf32>,
      %parallel_loop3A_671 = arith.addf %parallel_loop3A_666, %parallel_loop3A_670 : vector<16xf32>
      %parallel_loop3A_672 = arith.constant 1536 : index
      %parallel_loop3A_673 = tpu.vector_load %arg15[%parallel_loop3A_672] {strides = array<i32>} : memref<2560xf32, #tpu.memory_space<vmem>>, vector<16xf32>,
      %parallel_loop3A_674 = arith.mulf %parallel_loop3A_98, %parallel_loop3A_673 : vector<16xf32>
      %parallel_loop3A_675 = arith.constant 1552 : index
      %parallel_loop3A_676 = tpu.vector_load %arg15[%parallel_loop3A_675] {strides = array<i32>} : memref<2560xf32, #tpu.memory_space<vmem>>, vector<16xf32>,
      %parallel_loop3A_677 = arith.mulf %parallel_loop3A_104, %parallel_loop3A_676 : vector<16xf32>
      %parallel_loop3A_678 = arith.constant 1568 : index
      %parallel_loop3A_679 = tpu.vector_load %arg15[%parallel_loop3A_678] {strides = array<i32>} : memref<2560xf32, #tpu.memory_space<vmem>>, vector<16xf32>,
      %parallel_loop3A_680 = arith.mulf %parallel_loop3A_110, %parallel_loop3A_679 : vector<16xf32>
      %parallel_loop3A_681 = arith.constant 1584 : index
      %parallel_loop3A_682 = tpu.vector_load %arg15[%parallel_loop3A_681] {strides = array<i32>} : memref<2560xf32, #tpu.memory_space<vmem>>, vector<16xf32>,
      %parallel_loop3A_683 = arith.mulf %parallel_loop3A_116, %parallel_loop3A_682 : vector<16xf32>
      %parallel_loop3A_684 = arith.constant 1600 : index
      %parallel_loop3A_685 = tpu.vector_load %arg15[%parallel_loop3A_684] {strides = array<i32>} : memref<2560xf32, #tpu.memory_space<vmem>>, vector<16xf32>,
      %parallel_loop3A_686 = arith.mulf %parallel_loop3A_122, %parallel_loop3A_685 : vector<16xf32>
      %parallel_loop3A_687 = arith.constant 1616 : index
      %parallel_loop3A_688 = tpu.vector_load %arg15[%parallel_loop3A_687] {strides = array<i32>} : memref<2560xf32, #tpu.memory_space<vmem>>, vector<16xf32>,
      %parallel_loop3A_689 = arith.mulf %parallel_loop3A_128, %parallel_loop3A_688 : vector<16xf32>
      %parallel_loop3A_690 = arith.constant 1632 : index
      %parallel_loop3A_691 = tpu.vector_load %arg15[%parallel_loop3A_690] {strides = array<i32>} : memref<2560xf32, #tpu.memory_space<vmem>>, vector<16xf32>,
      %parallel_loop3A_692 = arith.mulf %parallel_loop3A_134, %parallel_loop3A_691 : vector<16xf32>
      %parallel_loop3A_693 = arith.constant 1648 : index
      %parallel_loop3A_694 = tpu.vector_load %arg15[%parallel_loop3A_693] {strides = array<i32>} : memref<2560xf32, #tpu.memory_space<vmem>>, vector<16xf32>,
      %parallel_loop3A_695 = arith.mulf %parallel_loop3A_140, %parallel_loop3A_694 : vector<16xf32>
      %parallel_loop3A_696 = arith.constant 1664 : index
      %parallel_loop3A_697 = tpu.vector_load %arg15[%parallel_loop3A_696] {strides = array<i32>} : memref<2560xf32, #tpu.memory_space<vmem>>, vector<16xf32>,
      %parallel_loop3A_698 = arith.mulf %parallel_loop3A_146, %parallel_loop3A_697 : vector<16xf32>
      %parallel_loop3A_699 = arith.constant 1680 : index
      %parallel_loop3A_700 = tpu.vector_load %arg15[%parallel_loop3A_699] {strides = array<i32>} : memref<2560xf32, #tpu.memory_space<vmem>>, vector<16xf32>,
      %parallel_loop3A_701 = arith.mulf %parallel_loop3A_152, %parallel_loop3A_700 : vector<16xf32>
      %parallel_loop3A_702 = arith.constant 1696 : index
      %parallel_loop3A_703 = tpu.vector_load %arg15[%parallel_loop3A_702] {strides = array<i32>} : memref<2560xf32, #tpu.memory_space<vmem>>, vector<16xf32>,
      %parallel_loop3A_704 = arith.mulf %parallel_loop3A_158, %parallel_loop3A_703 : vector<16xf32>
      %parallel_loop3A_705 = arith.constant 1712 : index
      %parallel_loop3A_706 = tpu.vector_load %arg15[%parallel_loop3A_705] {strides = array<i32>} : memref<2560xf32, #tpu.memory_space<vmem>>, vector<16xf32>,
      %parallel_loop3A_707 = arith.mulf %parallel_loop3A_164, %parallel_loop3A_706 : vector<16xf32>
      %parallel_loop3A_708 = arith.constant 1728 : index
      %parallel_loop3A_709 = tpu.vector_load %arg15[%parallel_loop3A_708] {strides = array<i32>} : memref<2560xf32, #tpu.memory_space<vmem>>, vector<16xf32>,
      %parallel_loop3A_710 = arith.mulf %parallel_loop3A_170, %parallel_loop3A_709 : vector<16xf32>
      %parallel_loop3A_711 = arith.constant 1744 : index
      %parallel_loop3A_712 = tpu.vector_load %arg15[%parallel_loop3A_711] {strides = array<i32>} : memref<2560xf32, #tpu.memory_space<vmem>>, vector<16xf32>,
      %parallel_loop3A_713 = arith.mulf %parallel_loop3A_176, %parallel_loop3A_712 : vector<16xf32>
      %parallel_loop3A_714 = arith.constant 1760 : index
      %parallel_loop3A_715 = tpu.vector_load %arg15[%parallel_loop3A_714] {strides = array<i32>} : memref<2560xf32, #tpu.memory_space<vmem>>, vector<16xf32>,
      %parallel_loop3A_716 = arith.mulf %parallel_loop3A_182, %parallel_loop3A_715 : vector<16xf32>
      %parallel_loop3A_717 = arith.constant 1776 : index
      %parallel_loop3A_718 = tpu.vector_load %arg15[%parallel_loop3A_717] {strides = array<i32>} : memref<2560xf32, #tpu.memory_space<vmem>>, vector<16xf32>,
      %parallel_loop3A_719 = arith.mulf %parallel_loop3A_188, %parallel_loop3A_718 : vector<16xf32>
      %parallel_loop3A_720 = arith.addf %parallel_loop3A_674, %parallel_loop3A_677 : vector<16xf32>
      %parallel_loop3A_721 = arith.addf %parallel_loop3A_680, %parallel_loop3A_683 : vector<16xf32>
      %parallel_loop3A_722 = arith.addf %parallel_loop3A_686, %parallel_loop3A_689 : vector<16xf32>
      %parallel_loop3A_723 = arith.addf %parallel_loop3A_692, %parallel_loop3A_695 : vector<16xf32>
      %parallel_loop3A_724 = arith.addf %parallel_loop3A_698, %parallel_loop3A_701 : vector<16xf32>
      %parallel_loop3A_725 = arith.addf %parallel_loop3A_704, %parallel_loop3A_707 : vector<16xf32>
      %parallel_loop3A_726 = arith.addf %parallel_loop3A_710, %parallel_loop3A_713 : vector<16xf32>
      %parallel_loop3A_727 = arith.addf %parallel_loop3A_716, %parallel_loop3A_719 : vector<16xf32>
      %parallel_loop3A_728 = arith.addf %parallel_loop3A_720, %parallel_loop3A_721 : vector<16xf32>
      %parallel_loop3A_729 = arith.addf %parallel_loop3A_722, %parallel_loop3A_723 : vector<16xf32>
      %parallel_loop3A_730 = arith.addf %parallel_loop3A_724, %parallel_loop3A_725 : vector<16xf32>
      %parallel_loop3A_731 = arith.addf %parallel_loop3A_726, %parallel_loop3A_727 : vector<16xf32>
      %parallel_loop3A_732 = arith.addf %parallel_loop3A_728, %parallel_loop3A_729 : vector<16xf32>
      %parallel_loop3A_733 = arith.addf %parallel_loop3A_730, %parallel_loop3A_731 : vector<16xf32>
      %parallel_loop3A_734 = arith.addf %parallel_loop3A_732, %parallel_loop3A_733 : vector<16xf32>
      %parallel_loop3A_735 = arith.addf %parallel_loop3A_734, %parallel_loop3A_671 : vector<16xf32>
      %parallel_loop3A_736 = arith.constant 6 : i32
      %parallel_loop3A_737 = vector.broadcast %parallel_loop3A_736 : i32 to vector<16xi32>
      %parallel_loop3A_738 = arith.addi %parallel_loop3A_206, %parallel_loop3A_737 : vector<16xi32>
      tpu.vector_store_idx %arg16[%parallel_loop3A_738], %parallel_loop3A_735 : memref<5120xf32, #tpu.memory_space<vmem>>[vector<16xi32>], vector<16xf32>,
      %parallel_loop3A_739 = arith.constant 7 : i32
      %parallel_loop3A_740 = vector.broadcast %parallel_loop3A_739 : i32 to vector<16xi32>
      %parallel_loop3A_741 = arith.addi %parallel_loop3A_193, %parallel_loop3A_740 : vector<16xi32>
      %parallel_loop3A_742 = tpu.vector_load_idx %arg14[%parallel_loop3A_741] : memref<310xf32, #tpu.memory_space<vmem>>[vector<16xi32>], vector<16xf32>,
      %parallel_loop3A_743 = arith.constant 7 : i32
      %parallel_loop3A_744 = vector.broadcast %parallel_loop3A_743 : i32 to vector<16xi32>
      %parallel_loop3A_745 = arith.addi %parallel_loop3A_201, %parallel_loop3A_744 : vector<16xi32>
      %parallel_loop3A_746 = tpu.vector_load_idx %arg14[%parallel_loop3A_745] : memref<310xf32, #tpu.memory_space<vmem>>[vector<16xi32>], vector<16xf32>,
      %parallel_loop3A_747 = arith.addf %parallel_loop3A_742, %parallel_loop3A_746 : vector<16xf32>
      %parallel_loop3A_748 = arith.constant 1792 : index
      %parallel_loop3A_749 = tpu.vector_load %arg15[%parallel_loop3A_748] {strides = array<i32>} : memref<2560xf32, #tpu.memory_space<vmem>>, vector<16xf32>,
      %parallel_loop3A_750 = arith.mulf %parallel_loop3A_98, %parallel_loop3A_749 : vector<16xf32>
      %parallel_loop3A_751 = arith.constant 1808 : index
      %parallel_loop3A_752 = tpu.vector_load %arg15[%parallel_loop3A_751] {strides = array<i32>} : memref<2560xf32, #tpu.memory_space<vmem>>, vector<16xf32>,
      %parallel_loop3A_753 = arith.mulf %parallel_loop3A_104, %parallel_loop3A_752 : vector<16xf32>
      %parallel_loop3A_754 = arith.constant 1824 : index
      %parallel_loop3A_755 = tpu.vector_load %arg15[%parallel_loop3A_754] {strides = array<i32>} : memref<2560xf32, #tpu.memory_space<vmem>>, vector<16xf32>,
      %parallel_loop3A_756 = arith.mulf %parallel_loop3A_110, %parallel_loop3A_755 : vector<16xf32>
      %parallel_loop3A_757 = arith.constant 1840 : index
      %parallel_loop3A_758 = tpu.vector_load %arg15[%parallel_loop3A_757] {strides = array<i32>} : memref<2560xf32, #tpu.memory_space<vmem>>, vector<16xf32>,
      %parallel_loop3A_759 = arith.mulf %parallel_loop3A_116, %parallel_loop3A_758 : vector<16xf32>
      %parallel_loop3A_760 = arith.constant 1856 : index
      %parallel_loop3A_761 = tpu.vector_load %arg15[%parallel_loop3A_760] {strides = array<i32>} : memref<2560xf32, #tpu.memory_space<vmem>>, vector<16xf32>,
      %parallel_loop3A_762 = arith.mulf %parallel_loop3A_122, %parallel_loop3A_761 : vector<16xf32>
      %parallel_loop3A_763 = arith.constant 1872 : index
      %parallel_loop3A_764 = tpu.vector_load %arg15[%parallel_loop3A_763] {strides = array<i32>} : memref<2560xf32, #tpu.memory_space<vmem>>, vector<16xf32>,
      %parallel_loop3A_765 = arith.mulf %parallel_loop3A_128, %parallel_loop3A_764 : vector<16xf32>
      %parallel_loop3A_766 = arith.constant 1888 : index
      %parallel_loop3A_767 = tpu.vector_load %arg15[%parallel_loop3A_766] {strides = array<i32>} : memref<2560xf32, #tpu.memory_space<vmem>>, vector<16xf32>,
      %parallel_loop3A_768 = arith.mulf %parallel_loop3A_134, %parallel_loop3A_767 : vector<16xf32>
      %parallel_loop3A_769 = arith.constant 1904 : index
      %parallel_loop3A_770 = tpu.vector_load %arg15[%parallel_loop3A_769] {strides = array<i32>} : memref<2560xf32, #tpu.memory_space<vmem>>, vector<16xf32>,
      %parallel_loop3A_771 = arith.mulf %parallel_loop3A_140, %parallel_loop3A_770 : vector<16xf32>
      %parallel_loop3A_772 = arith.constant 1920 : index
      %parallel_loop3A_773 = tpu.vector_load %arg15[%parallel_loop3A_772] {strides = array<i32>} : memref<2560xf32, #tpu.memory_space<vmem>>, vector<16xf32>,
      %parallel_loop3A_774 = arith.mulf %parallel_loop3A_146, %parallel_loop3A_773 : vector<16xf32>
      %parallel_loop3A_775 = arith.constant 1936 : index
      %parallel_loop3A_776 = tpu.vector_load %arg15[%parallel_loop3A_775] {strides = array<i32>} : memref<2560xf32, #tpu.memory_space<vmem>>, vector<16xf32>,
      %parallel_loop3A_777 = arith.mulf %parallel_loop3A_152, %parallel_loop3A_776 : vector<16xf32>
      %parallel_loop3A_778 = arith.constant 1952 : index
      %parallel_loop3A_779 = tpu.vector_load %arg15[%parallel_loop3A_778] {strides = array<i32>} : memref<2560xf32, #tpu.memory_space<vmem>>, vector<16xf32>,
      %parallel_loop3A_780 = arith.mulf %parallel_loop3A_158, %parallel_loop3A_779 : vector<16xf32>
      %parallel_loop3A_781 = arith.constant 1968 : index
      %parallel_loop3A_782 = tpu.vector_load %arg15[%parallel_loop3A_781] {strides = array<i32>} : memref<2560xf32, #tpu.memory_space<vmem>>, vector<16xf32>,
      %parallel_loop3A_783 = arith.mulf %parallel_loop3A_164, %parallel_loop3A_782 : vector<16xf32>
      %parallel_loop3A_784 = arith.constant 1984 : index
      %parallel_loop3A_785 = tpu.vector_load %arg15[%parallel_loop3A_784] {strides = array<i32>} : memref<2560xf32, #tpu.memory_space<vmem>>, vector<16xf32>,
      %parallel_loop3A_786 = arith.mulf %parallel_loop3A_170, %parallel_loop3A_785 : vector<16xf32>
      %parallel_loop3A_787 = arith.constant 2000 : index
      %parallel_loop3A_788 = tpu.vector_load %arg15[%parallel_loop3A_787] {strides = array<i32>} : memref<2560xf32, #tpu.memory_space<vmem>>, vector<16xf32>,
      %parallel_loop3A_789 = arith.mulf %parallel_loop3A_176, %parallel_loop3A_788 : vector<16xf32>
      %parallel_loop3A_790 = arith.constant 2016 : index
      %parallel_loop3A_791 = tpu.vector_load %arg15[%parallel_loop3A_790] {strides = array<i32>} : memref<2560xf32, #tpu.memory_space<vmem>>, vector<16xf32>,
      %parallel_loop3A_792 = arith.mulf %parallel_loop3A_182, %parallel_loop3A_791 : vector<16xf32>
      %parallel_loop3A_793 = arith.constant 2032 : index
      %parallel_loop3A_794 = tpu.vector_load %arg15[%parallel_loop3A_793] {strides = array<i32>} : memref<2560xf32, #tpu.memory_space<vmem>>, vector<16xf32>,
      %parallel_loop3A_795 = arith.mulf %parallel_loop3A_188, %parallel_loop3A_794 : vector<16xf32>
      %parallel_loop3A_796 = arith.addf %parallel_loop3A_750, %parallel_loop3A_753 : vector<16xf32>
      %parallel_loop3A_797 = arith.addf %parallel_loop3A_756, %parallel_loop3A_759 : vector<16xf32>
      %parallel_loop3A_798 = arith.addf %parallel_loop3A_762, %parallel_loop3A_765 : vector<16xf32>
      %parallel_loop3A_799 = arith.addf %parallel_loop3A_768, %parallel_loop3A_771 : vector<16xf32>
      %parallel_loop3A_800 = arith.addf %parallel_loop3A_774, %parallel_loop3A_777 : vector<16xf32>
      %parallel_loop3A_801 = arith.addf %parallel_loop3A_780, %parallel_loop3A_783 : vector<16xf32>
      %parallel_loop3A_802 = arith.addf %parallel_loop3A_786, %parallel_loop3A_789 : vector<16xf32>
      %parallel_loop3A_803 = arith.addf %parallel_loop3A_792, %parallel_loop3A_795 : vector<16xf32>
      %parallel_loop3A_804 = arith.addf %parallel_loop3A_796, %parallel_loop3A_797 : vector<16xf32>
      %parallel_loop3A_805 = arith.addf %parallel_loop3A_798, %parallel_loop3A_799 : vector<16xf32>
      %parallel_loop3A_806 = arith.addf %parallel_loop3A_800, %parallel_loop3A_801 : vector<16xf32>
      %parallel_loop3A_807 = arith.addf %parallel_loop3A_802, %parallel_loop3A_803 : vector<16xf32>
      %parallel_loop3A_808 = arith.addf %parallel_loop3A_804, %parallel_loop3A_805 : vector<16xf32>
      %parallel_loop3A_809 = arith.addf %parallel_loop3A_806, %parallel_loop3A_807 : vector<16xf32>
      %parallel_loop3A_810 = arith.addf %parallel_loop3A_808, %parallel_loop3A_809 : vector<16xf32>
      %parallel_loop3A_811 = arith.addf %parallel_loop3A_810, %parallel_loop3A_747 : vector<16xf32>
      %parallel_loop3A_812 = arith.constant 7 : i32
      %parallel_loop3A_813 = vector.broadcast %parallel_loop3A_812 : i32 to vector<16xi32>
      %parallel_loop3A_814 = arith.addi %parallel_loop3A_206, %parallel_loop3A_813 : vector<16xi32>
      tpu.vector_store_idx %arg16[%parallel_loop3A_814], %parallel_loop3A_811 : memref<5120xf32, #tpu.memory_space<vmem>>[vector<16xi32>], vector<16xf32>,
      %parallel_loop3A_815 = arith.constant 8 : i32
      %parallel_loop3A_816 = vector.broadcast %parallel_loop3A_815 : i32 to vector<16xi32>
      %parallel_loop3A_817 = arith.addi %parallel_loop3A_193, %parallel_loop3A_816 : vector<16xi32>
      %parallel_loop3A_818 = tpu.vector_load_idx %arg14[%parallel_loop3A_817] : memref<310xf32, #tpu.memory_space<vmem>>[vector<16xi32>], vector<16xf32>,
      %parallel_loop3A_819 = arith.constant 8 : i32
      %parallel_loop3A_820 = vector.broadcast %parallel_loop3A_819 : i32 to vector<16xi32>
      %parallel_loop3A_821 = arith.addi %parallel_loop3A_201, %parallel_loop3A_820 : vector<16xi32>
      %parallel_loop3A_822 = tpu.vector_load_idx %arg14[%parallel_loop3A_821] : memref<310xf32, #tpu.memory_space<vmem>>[vector<16xi32>], vector<16xf32>,
      %parallel_loop3A_823 = arith.addf %parallel_loop3A_818, %parallel_loop3A_822 : vector<16xf32>
      %parallel_loop3A_824 = arith.constant 2048 : index
      %parallel_loop3A_825 = tpu.vector_load %arg15[%parallel_loop3A_824] {strides = array<i32>} : memref<2560xf32, #tpu.memory_space<vmem>>, vector<16xf32>,
      %parallel_loop3A_826 = arith.mulf %parallel_loop3A_98, %parallel_loop3A_825 : vector<16xf32>
      %parallel_loop3A_827 = arith.constant 2064 : index
      %parallel_loop3A_828 = tpu.vector_load %arg15[%parallel_loop3A_827] {strides = array<i32>} : memref<2560xf32, #tpu.memory_space<vmem>>, vector<16xf32>,
      %parallel_loop3A_829 = arith.mulf %parallel_loop3A_104, %parallel_loop3A_828 : vector<16xf32>
      %parallel_loop3A_830 = arith.constant 2080 : index
      %parallel_loop3A_831 = tpu.vector_load %arg15[%parallel_loop3A_830] {strides = array<i32>} : memref<2560xf32, #tpu.memory_space<vmem>>, vector<16xf32>,
      %parallel_loop3A_832 = arith.mulf %parallel_loop3A_110, %parallel_loop3A_831 : vector<16xf32>
      %parallel_loop3A_833 = arith.constant 2096 : index
      %parallel_loop3A_834 = tpu.vector_load %arg15[%parallel_loop3A_833] {strides = array<i32>} : memref<2560xf32, #tpu.memory_space<vmem>>, vector<16xf32>,
      %parallel_loop3A_835 = arith.mulf %parallel_loop3A_116, %parallel_loop3A_834 : vector<16xf32>
      %parallel_loop3A_836 = arith.constant 2112 : index
      %parallel_loop3A_837 = tpu.vector_load %arg15[%parallel_loop3A_836] {strides = array<i32>} : memref<2560xf32, #tpu.memory_space<vmem>>, vector<16xf32>,
      %parallel_loop3A_838 = arith.mulf %parallel_loop3A_122, %parallel_loop3A_837 : vector<16xf32>
      %parallel_loop3A_839 = arith.constant 2128 : index
      %parallel_loop3A_840 = tpu.vector_load %arg15[%parallel_loop3A_839] {strides = array<i32>} : memref<2560xf32, #tpu.memory_space<vmem>>, vector<16xf32>,
      %parallel_loop3A_841 = arith.mulf %parallel_loop3A_128, %parallel_loop3A_840 : vector<16xf32>
      %parallel_loop3A_842 = arith.constant 2144 : index
      %parallel_loop3A_843 = tpu.vector_load %arg15[%parallel_loop3A_842] {strides = array<i32>} : memref<2560xf32, #tpu.memory_space<vmem>>, vector<16xf32>,
      %parallel_loop3A_844 = arith.mulf %parallel_loop3A_134, %parallel_loop3A_843 : vector<16xf32>
      %parallel_loop3A_845 = arith.constant 2160 : index
      %parallel_loop3A_846 = tpu.vector_load %arg15[%parallel_loop3A_845] {strides = array<i32>} : memref<2560xf32, #tpu.memory_space<vmem>>, vector<16xf32>,
      %parallel_loop3A_847 = arith.mulf %parallel_loop3A_140, %parallel_loop3A_846 : vector<16xf32>
      %parallel_loop3A_848 = arith.constant 2176 : index
      %parallel_loop3A_849 = tpu.vector_load %arg15[%parallel_loop3A_848] {strides = array<i32>} : memref<2560xf32, #tpu.memory_space<vmem>>, vector<16xf32>,
      %parallel_loop3A_850 = arith.mulf %parallel_loop3A_146, %parallel_loop3A_849 : vector<16xf32>
      %parallel_loop3A_851 = arith.constant 2192 : index
      %parallel_loop3A_852 = tpu.vector_load %arg15[%parallel_loop3A_851] {strides = array<i32>} : memref<2560xf32, #tpu.memory_space<vmem>>, vector<16xf32>,
      %parallel_loop3A_853 = arith.mulf %parallel_loop3A_152, %parallel_loop3A_852 : vector<16xf32>
      %parallel_loop3A_854 = arith.constant 2208 : index
      %parallel_loop3A_855 = tpu.vector_load %arg15[%parallel_loop3A_854] {strides = array<i32>} : memref<2560xf32, #tpu.memory_space<vmem>>, vector<16xf32>,
      %parallel_loop3A_856 = arith.mulf %parallel_loop3A_158, %parallel_loop3A_855 : vector<16xf32>
      %parallel_loop3A_857 = arith.constant 2224 : index
      %parallel_loop3A_858 = tpu.vector_load %arg15[%parallel_loop3A_857] {strides = array<i32>} : memref<2560xf32, #tpu.memory_space<vmem>>, vector<16xf32>,
      %parallel_loop3A_859 = arith.mulf %parallel_loop3A_164, %parallel_loop3A_858 : vector<16xf32>
      %parallel_loop3A_860 = arith.constant 2240 : index
      %parallel_loop3A_861 = tpu.vector_load %arg15[%parallel_loop3A_860] {strides = array<i32>} : memref<2560xf32, #tpu.memory_space<vmem>>, vector<16xf32>,
      %parallel_loop3A_862 = arith.mulf %parallel_loop3A_170, %parallel_loop3A_861 : vector<16xf32>
      %parallel_loop3A_863 = arith.constant 2256 : index
      %parallel_loop3A_864 = tpu.vector_load %arg15[%parallel_loop3A_863] {strides = array<i32>} : memref<2560xf32, #tpu.memory_space<vmem>>, vector<16xf32>,
      %parallel_loop3A_865 = arith.mulf %parallel_loop3A_176, %parallel_loop3A_864 : vector<16xf32>
      %parallel_loop3A_866 = arith.constant 2272 : index
      %parallel_loop3A_867 = tpu.vector_load %arg15[%parallel_loop3A_866] {strides = array<i32>} : memref<2560xf32, #tpu.memory_space<vmem>>, vector<16xf32>,
      %parallel_loop3A_868 = arith.mulf %parallel_loop3A_182, %parallel_loop3A_867 : vector<16xf32>
      %parallel_loop3A_869 = arith.constant 2288 : index
      %parallel_loop3A_870 = tpu.vector_load %arg15[%parallel_loop3A_869] {strides = array<i32>} : memref<2560xf32, #tpu.memory_space<vmem>>, vector<16xf32>,
      %parallel_loop3A_871 = arith.mulf %parallel_loop3A_188, %parallel_loop3A_870 : vector<16xf32>
      %parallel_loop3A_872 = arith.addf %parallel_loop3A_826, %parallel_loop3A_829 : vector<16xf32>
      %parallel_loop3A_873 = arith.addf %parallel_loop3A_832, %parallel_loop3A_835 : vector<16xf32>
      %parallel_loop3A_874 = arith.addf %parallel_loop3A_838, %parallel_loop3A_841 : vector<16xf32>
      %parallel_loop3A_875 = arith.addf %parallel_loop3A_844, %parallel_loop3A_847 : vector<16xf32>
      %parallel_loop3A_876 = arith.addf %parallel_loop3A_850, %parallel_loop3A_853 : vector<16xf32>
      %parallel_loop3A_877 = arith.addf %parallel_loop3A_856, %parallel_loop3A_859 : vector<16xf32>
      %parallel_loop3A_878 = arith.addf %parallel_loop3A_862, %parallel_loop3A_865 : vector<16xf32>
      %parallel_loop3A_879 = arith.addf %parallel_loop3A_868, %parallel_loop3A_871 : vector<16xf32>
      %parallel_loop3A_880 = arith.addf %parallel_loop3A_872, %parallel_loop3A_873 : vector<16xf32>
      %parallel_loop3A_881 = arith.addf %parallel_loop3A_874, %parallel_loop3A_875 : vector<16xf32>
      %parallel_loop3A_882 = arith.addf %parallel_loop3A_876, %parallel_loop3A_877 : vector<16xf32>
      %parallel_loop3A_883 = arith.addf %parallel_loop3A_878, %parallel_loop3A_879 : vector<16xf32>
      %parallel_loop3A_884 = arith.addf %parallel_loop3A_880, %parallel_loop3A_881 : vector<16xf32>
      %parallel_loop3A_885 = arith.addf %parallel_loop3A_882, %parallel_loop3A_883 : vector<16xf32>
      %parallel_loop3A_886 = arith.addf %parallel_loop3A_884, %parallel_loop3A_885 : vector<16xf32>
      %parallel_loop3A_887 = arith.addf %parallel_loop3A_886, %parallel_loop3A_823 : vector<16xf32>
      %parallel_loop3A_888 = arith.constant 8 : i32
      %parallel_loop3A_889 = vector.broadcast %parallel_loop3A_888 : i32 to vector<16xi32>
      %parallel_loop3A_890 = arith.addi %parallel_loop3A_206, %parallel_loop3A_889 : vector<16xi32>
      tpu.vector_store_idx %arg16[%parallel_loop3A_890], %parallel_loop3A_887 : memref<5120xf32, #tpu.memory_space<vmem>>[vector<16xi32>], vector<16xf32>,
      %parallel_loop3A_891 = arith.constant 9 : i32
      %parallel_loop3A_892 = vector.broadcast %parallel_loop3A_891 : i32 to vector<16xi32>
      %parallel_loop3A_893 = arith.addi %parallel_loop3A_193, %parallel_loop3A_892 : vector<16xi32>
      %parallel_loop3A_894 = tpu.vector_load_idx %arg14[%parallel_loop3A_893] : memref<310xf32, #tpu.memory_space<vmem>>[vector<16xi32>], vector<16xf32>,
      %parallel_loop3A_895 = arith.constant 9 : i32
      %parallel_loop3A_896 = vector.broadcast %parallel_loop3A_895 : i32 to vector<16xi32>
      %parallel_loop3A_897 = arith.addi %parallel_loop3A_201, %parallel_loop3A_896 : vector<16xi32>
      %parallel_loop3A_898 = tpu.vector_load_idx %arg14[%parallel_loop3A_897] : memref<310xf32, #tpu.memory_space<vmem>>[vector<16xi32>], vector<16xf32>,
      %parallel_loop3A_899 = arith.addf %parallel_loop3A_894, %parallel_loop3A_898 : vector<16xf32>
      %parallel_loop3A_900 = arith.constant 2304 : index
      %parallel_loop3A_901 = tpu.vector_load %arg15[%parallel_loop3A_900] {strides = array<i32>} : memref<2560xf32, #tpu.memory_space<vmem>>, vector<16xf32>,
      %parallel_loop3A_902 = arith.mulf %parallel_loop3A_98, %parallel_loop3A_901 : vector<16xf32>
      %parallel_loop3A_903 = arith.constant 2320 : index
      %parallel_loop3A_904 = tpu.vector_load %arg15[%parallel_loop3A_903] {strides = array<i32>} : memref<2560xf32, #tpu.memory_space<vmem>>, vector<16xf32>,
      %parallel_loop3A_905 = arith.mulf %parallel_loop3A_104, %parallel_loop3A_904 : vector<16xf32>
      %parallel_loop3A_906 = arith.constant 2336 : index
      %parallel_loop3A_907 = tpu.vector_load %arg15[%parallel_loop3A_906] {strides = array<i32>} : memref<2560xf32, #tpu.memory_space<vmem>>, vector<16xf32>,
      %parallel_loop3A_908 = arith.mulf %parallel_loop3A_110, %parallel_loop3A_907 : vector<16xf32>
      %parallel_loop3A_909 = arith.constant 2352 : index
      %parallel_loop3A_910 = tpu.vector_load %arg15[%parallel_loop3A_909] {strides = array<i32>} : memref<2560xf32, #tpu.memory_space<vmem>>, vector<16xf32>,
      %parallel_loop3A_911 = arith.mulf %parallel_loop3A_116, %parallel_loop3A_910 : vector<16xf32>
      %parallel_loop3A_912 = arith.constant 2368 : index
      %parallel_loop3A_913 = tpu.vector_load %arg15[%parallel_loop3A_912] {strides = array<i32>} : memref<2560xf32, #tpu.memory_space<vmem>>, vector<16xf32>,
      %parallel_loop3A_914 = arith.mulf %parallel_loop3A_122, %parallel_loop3A_913 : vector<16xf32>
      %parallel_loop3A_915 = arith.constant 2384 : index
      %parallel_loop3A_916 = tpu.vector_load %arg15[%parallel_loop3A_915] {strides = array<i32>} : memref<2560xf32, #tpu.memory_space<vmem>>, vector<16xf32>,
      %parallel_loop3A_917 = arith.mulf %parallel_loop3A_128, %parallel_loop3A_916 : vector<16xf32>
      %parallel_loop3A_918 = arith.constant 2400 : index
      %parallel_loop3A_919 = tpu.vector_load %arg15[%parallel_loop3A_918] {strides = array<i32>} : memref<2560xf32, #tpu.memory_space<vmem>>, vector<16xf32>,
      %parallel_loop3A_920 = arith.mulf %parallel_loop3A_134, %parallel_loop3A_919 : vector<16xf32>
      %parallel_loop3A_921 = arith.constant 2416 : index
      %parallel_loop3A_922 = tpu.vector_load %arg15[%parallel_loop3A_921] {strides = array<i32>} : memref<2560xf32, #tpu.memory_space<vmem>>, vector<16xf32>,
      %parallel_loop3A_923 = arith.mulf %parallel_loop3A_140, %parallel_loop3A_922 : vector<16xf32>
      %parallel_loop3A_924 = arith.constant 2432 : index
      %parallel_loop3A_925 = tpu.vector_load %arg15[%parallel_loop3A_924] {strides = array<i32>} : memref<2560xf32, #tpu.memory_space<vmem>>, vector<16xf32>,
      %parallel_loop3A_926 = arith.mulf %parallel_loop3A_146, %parallel_loop3A_925 : vector<16xf32>
      %parallel_loop3A_927 = arith.constant 2448 : index
      %parallel_loop3A_928 = tpu.vector_load %arg15[%parallel_loop3A_927] {strides = array<i32>} : memref<2560xf32, #tpu.memory_space<vmem>>, vector<16xf32>,
      %parallel_loop3A_929 = arith.mulf %parallel_loop3A_152, %parallel_loop3A_928 : vector<16xf32>
      %parallel_loop3A_930 = arith.constant 2464 : index
      %parallel_loop3A_931 = tpu.vector_load %arg15[%parallel_loop3A_930] {strides = array<i32>} : memref<2560xf32, #tpu.memory_space<vmem>>, vector<16xf32>,
      %parallel_loop3A_932 = arith.mulf %parallel_loop3A_158, %parallel_loop3A_931 : vector<16xf32>
      %parallel_loop3A_933 = arith.constant 2480 : index
      %parallel_loop3A_934 = tpu.vector_load %arg15[%parallel_loop3A_933] {strides = array<i32>} : memref<2560xf32, #tpu.memory_space<vmem>>, vector<16xf32>,
      %parallel_loop3A_935 = arith.mulf %parallel_loop3A_164, %parallel_loop3A_934 : vector<16xf32>
      %parallel_loop3A_936 = arith.constant 2496 : index
      %parallel_loop3A_937 = tpu.vector_load %arg15[%parallel_loop3A_936] {strides = array<i32>} : memref<2560xf32, #tpu.memory_space<vmem>>, vector<16xf32>,
      %parallel_loop3A_938 = arith.mulf %parallel_loop3A_170, %parallel_loop3A_937 : vector<16xf32>
      %parallel_loop3A_939 = arith.constant 2512 : index
      %parallel_loop3A_940 = tpu.vector_load %arg15[%parallel_loop3A_939] {strides = array<i32>} : memref<2560xf32, #tpu.memory_space<vmem>>, vector<16xf32>,
      %parallel_loop3A_941 = arith.mulf %parallel_loop3A_176, %parallel_loop3A_940 : vector<16xf32>
      %parallel_loop3A_942 = arith.constant 2528 : index
      %parallel_loop3A_943 = tpu.vector_load %arg15[%parallel_loop3A_942] {strides = array<i32>} : memref<2560xf32, #tpu.memory_space<vmem>>, vector<16xf32>,
      %parallel_loop3A_944 = arith.mulf %parallel_loop3A_182, %parallel_loop3A_943 : vector<16xf32>
      %parallel_loop3A_945 = arith.constant 2544 : index
      %parallel_loop3A_946 = tpu.vector_load %arg15[%parallel_loop3A_945] {strides = array<i32>} : memref<2560xf32, #tpu.memory_space<vmem>>, vector<16xf32>,
      %parallel_loop3A_947 = arith.mulf %parallel_loop3A_188, %parallel_loop3A_946 : vector<16xf32>
      %parallel_loop3A_948 = arith.addf %parallel_loop3A_902, %parallel_loop3A_905 : vector<16xf32>
      %parallel_loop3A_949 = arith.addf %parallel_loop3A_908, %parallel_loop3A_911 : vector<16xf32>
      %parallel_loop3A_950 = arith.addf %parallel_loop3A_914, %parallel_loop3A_917 : vector<16xf32>
      %parallel_loop3A_951 = arith.addf %parallel_loop3A_920, %parallel_loop3A_923 : vector<16xf32>
      %parallel_loop3A_952 = arith.addf %parallel_loop3A_926, %parallel_loop3A_929 : vector<16xf32>
      %parallel_loop3A_953 = arith.addf %parallel_loop3A_932, %parallel_loop3A_935 : vector<16xf32>
      %parallel_loop3A_954 = arith.addf %parallel_loop3A_938, %parallel_loop3A_941 : vector<16xf32>
      %parallel_loop3A_955 = arith.addf %parallel_loop3A_944, %parallel_loop3A_947 : vector<16xf32>
      %parallel_loop3A_956 = arith.addf %parallel_loop3A_948, %parallel_loop3A_949 : vector<16xf32>
      %parallel_loop3A_957 = arith.addf %parallel_loop3A_950, %parallel_loop3A_951 : vector<16xf32>
      %parallel_loop3A_958 = arith.addf %parallel_loop3A_952, %parallel_loop3A_953 : vector<16xf32>
      %parallel_loop3A_959 = arith.addf %parallel_loop3A_954, %parallel_loop3A_955 : vector<16xf32>
      %parallel_loop3A_960 = arith.addf %parallel_loop3A_956, %parallel_loop3A_957 : vector<16xf32>
      %parallel_loop3A_961 = arith.addf %parallel_loop3A_958, %parallel_loop3A_959 : vector<16xf32>
      %parallel_loop3A_962 = arith.addf %parallel_loop3A_960, %parallel_loop3A_961 : vector<16xf32>
      %parallel_loop3A_963 = arith.addf %parallel_loop3A_962, %parallel_loop3A_899 : vector<16xf32>
      %parallel_loop3A_964 = arith.constant 9 : i32
      %parallel_loop3A_965 = vector.broadcast %parallel_loop3A_964 : i32 to vector<16xi32>
      %parallel_loop3A_966 = arith.addi %parallel_loop3A_206, %parallel_loop3A_965 : vector<16xi32>
      tpu.vector_store_idx %arg16[%parallel_loop3A_966], %parallel_loop3A_963 : memref<5120xf32, #tpu.memory_space<vmem>>[vector<16xi32>], vector<16xf32>,
    } {sc.loop_unroll_factor = 1 : i64, sc.parallel_access}
    %mul3A_86 = arith.constant 10 : i32
    %mul3A_87 = arith.muli %mul3A_2, %mul3A_86 : i32
    "tpu.region"() ({
      %run_scoped3A = tpu.sem_alloc : memref<!tpu.dma_semaphore, #tpu.memory_space<semaphore_mem>>
      %dma_start3A_88 = tpu.memref_slice %arg8[%mul3A_87] : memref<163840xf32, #tpu.memory_space<hbm>> -> memref<5120xf32, #tpu.memory_space<hbm>>
      %dma_start3A_89 = tpu.memref_slice %arg8[%mul3A_87] : memref<163840xf32, #tpu.memory_space<hbm>> -> memref<5120xf32, #tpu.memory_space<hbm>>
      tpu.enqueue_dma source(%arg16 : memref<5120xf32, #tpu.memory_space<vmem>>) target(%dma_start3A_89 : memref<5120xf32, #tpu.memory_space<hbm>>) target_semaphore(%run_scoped3A : memref<!tpu.dma_semaphore, #tpu.memory_space<semaphore_mem>>)
      %dma_wait3A_90 = tpu.memref_slice %arg8[%mul3A_87] : memref<163840xf32, #tpu.memory_space<hbm>> -> memref<5120xf32, #tpu.memory_space<hbm>>
      %dma_wait3A_91 = tpu.memref_slice %arg8[%mul3A_87] : memref<163840xf32, #tpu.memory_space<hbm>> -> memref<5120xf32, #tpu.memory_space<hbm>>
      tpu.wait_dma2 semaphore(%run_scoped3A : memref<!tpu.dma_semaphore, #tpu.memory_space<semaphore_mem>>) src(%arg16 : memref<5120xf32, #tpu.memory_space<vmem>>) dst(%dma_wait3A_91 : memref<5120xf32, #tpu.memory_space<hbm>>)
      tpu.yield
    }) : () -> ()
    return
  }
}

</mosaic_0001>

<sc_bundles>
// kernel: kernel.3.cloned.1.call-start
scs
__scs_entry_jumppad:
0x0: {  	(pc) =	sbr.rel $0x88, $3  }
0x1: {  	(tag) =	ssettag $0x0;
	lr =	simm.s32 $0x1  }
0x2: {  	[smem:$0x3F9B] =	sst lr;
	_ =	strace $0xD0000000  }
0x3: {  	_ = 	snop  }
0x4: {  	_ = 	snop  }
0x5: {  	_ = 	snop  }
0x6: {  	_ = 	snop  }
0x7: {  	_ = 	snop  }
__scs_overlays_trampoline_lowered:
0x8: {  	[smem:$0x3FAA] =	sst s0  }
0x9: {  	[smem:$0x3FAB] =	sst s1  }
0xa: {  	[smem:$0x3FAC] =	sst s2  }
0xb: {  	[smem:$0x3FAD] =	sst s3  }
0xc: {  	[smem:$0x3FAE] =	sst s4  }
0xd: {  	[smem:$0x3FAF] =	sst s5  }
0xe: {  	[smem:$0x3FB0] =	sst s6  }
0xf: {  	[smem:$0x3FB1] =	sst s7  }
0x10: {  	[smem:$0x3FB2] =	sst s8  }
0x11: {  	[smem:$0x3FB3] =	sst s9;
	s0 =	simm.s32 @!p0 $0x0  }
0x12: {  	s1 =	sld [smem:$0x3F99];
	s0 =	simm.s32 @p0 $0x1  }
0x13: {  	[smem:$0x3FB4] =	sst s0;
	s0 =	simm.s32 @!p1 $0x0  }
0x14: {  	s2 =	sld [smem:$0x3F98];
	s0 =	simm.s32 @p1 $0x1  }
0x15: {  	[smem:$0x3FB5] =	sst s0;
	s0 =	simm.s32 @!p2 $0x0  }
0x16: {  	s3 =	sld [smem:$0x3FDB];
	s0 =	simm.s32 @p2 $0x1  }
0x17: {  	s4 =	simm.s32 $0x1BF5;
	[smem:$0x3FB7] =	sst s0  }
0x18: {  	s0 =	sld [smem:$0x3F9A];
	_ =	swait.ge [sflag:s4], $0x0  }
0x19: {  	s7 =	sld [smem:$0x3F9B]  }
0x1a: {  	s8 =	sadd.s32 $0xFFFFE003, lr  }
0x1b: {  	s9 =	sadd.s32 $0xFFFFFEF7, lr;
	s5 =	simm.s32 $0xFFFFFFFF;
	p2 =	slt.u32 s8, $0xFFFFF086  }
0x1c: {  	p1 =	slt.u32 s9, $0xF7A;
	s5 =	simm.s32 @!p2 $0x0  }
0x1d: {  	s5 =	simm.s32 @p1 $0x1;
	p0 =	seq.s32 s7, s2  }
0x1e: {  	s7 =	smul.u32 @!p0 $0xF7A, s2;
	p2 =	seq.s32 @!p0 s5, $0x0  }
0x1f: {  	s9 =	smul.u32 $0xF7A, s1;
	s8 =	simm.s32 @!p0 $0x1BF5;
	p2 =	por !p2, p0  }
0x20: {  	[sflag:s8] =	ssyncset.s32 @!p0 $0xFFFFF086;
	s6 =	sadd.s32 @!p0 s3, s7;
	s7 =	simm.s32 @!p0 $0x108  }
0x21: {  	s3 =	sadd.s32 s3, s9;
	s6 =	sadd.s32 @!p0 $0x88, s6;
	s7 =	simm.s32 @p2 $0x1082  }
0x22: {  	[simem:s7], [sflag:s8] =	dma.local @!p0 [hbm:s6], $0xF7A  }
0x23: {  	s9 =	sor.u32 $0xD0000000, s2;
	s6 =	simm.s32 $0x108;
	_ =	swait.ge @!p0 [sflag:s8], $0x0  }
0x24: {  	s3 =	sadd.s32 $0x88, s3;
	s6 =	simm.s32 @!p1 $0x1082;
	[sflag:s4] =	ssyncset.s32 $0xFFFFF086  }
0x25: {  	[simem:s6], [sflag:s4] =	dma.local [hbm:s3], $0xF7A  }
0x26: {  	[smem:$0x3F9B] =	sst s1;
	(tag) =	ssettag s2;
	_ =	strace s9  }
0x27: {  	s1 =	sld [smem:$0x3FAB]  }
0x28: {  	s2 =	sld [smem:$0x3FAC]  }
0x29: {  	s4 =	sld [smem:$0x3FAE]  }
0x2a: {  	p0 =	seq.s32 s5, $0x0;
	s5 =	sld [smem:$0x3FAF]  }
0x2b: {  	s6 =	sld [smem:$0x3FB0]  }
0x2c: {  	s7 =	sld [smem:$0x3FB1]  }
0x2d: {  	s3 =	simm.s32 $0x108;
	s8 =	sld [smem:$0x3FB2]  }
0x2e: {  	s3 =	simm.s32 @!p0 $0x1082;
	s9 =	sld [smem:$0x3FB3]  }
0x2f: {  	lr =	sadd.s32 s0, s3;
	s0 =	sld [smem:$0x3FAA]  }
0x30: {  	s3 =	sld [smem:$0x3FAD]  }
0x31: {  	[smem:$0x3FB6] =	sst s10  }
0x32: {  	s10 =	sld [smem:$0x3FB4];
	_ =	sdelay $0x3  }
0x33: {  	p0 =	seq.s32 s10, $0x1;
	s10 =	sld [smem:$0x3FB6];
	_ =	sdelay $0x3  }
0x34: {  	[smem:$0x3FB6] =	sst s10  }
0x35: {  	s10 =	sld [smem:$0x3FB5];
	_ =	sdelay $0x3  }
0x36: {  	p1 =	seq.s32 s10, $0x1;
	s10 =	sld [smem:$0x3FB6];
	_ =	sdelay $0x3  }
0x37: {  	[smem:$0x3FB6] =	sst s10  }
0x38: {  	s10 =	sld [smem:$0x3FB7]  }
0x39: {  	_ = 	snop;
	(pc) =	sbr.ind lr, $3  }
0x3a: {  	_ = 	snop  }
0x3b: {  	_ = 	snop  }
0x3c: {  	p2 =	seq.s32 s10, $0x1;
	s10 =	sld [smem:$0x3FB6]  }
0x3d: {  	_ =	shalt  }
0x3e: {  	_ =	shalt  }
0x3f: {  	_ =	shalt  }
0x40: {  	_ =	shalt  }
0x41: {  	_ =	shalt  }
0x42: {  	_ =	shalt  }
0x43: {  	_ =	shalt  }
0x44: {  	_ =	shalt  }
0x45: {  	_ =	shalt  }
0x46: {  	_ =	shalt  }
0x47: {  	_ =	shalt  }
0x48: {  	_ =	shalt  }
0x49: {  	_ =	shalt  }
0x4a: {  	_ =	shalt  }
0x4b: {  	_ =	shalt  }
0x4c: {  	_ =	shalt  }
0x4d: {  	_ =	shalt  }
0x4e: {  	_ =	shalt  }
0x4f: {  	_ =	shalt  }
0x50: {  	_ =	shalt  }
0x51: {  	_ =	shalt  }
0x52: {  	_ =	shalt  }
0x53: {  	_ =	shalt  }
0x54: {  	_ =	shalt  }
0x55: {  	_ =	shalt  }
0x56: {  	_ =	shalt  }
0x57: {  	_ =	shalt  }
0x58: {  	_ =	shalt  }
0x59: {  	_ =	shalt  }
0x5a: {  	_ =	shalt  }
0x5b: {  	_ =	shalt  }
0x5c: {  	_ =	shalt  }
0x5d: {  	_ =	shalt  }
0x5e: {  	_ =	shalt  }
0x5f: {  	_ =	shalt  }
0x60: {  	_ =	shalt  }
0x61: {  	_ =	shalt  }
0x62: {  	_ =	shalt  }
0x63: {  	_ =	shalt  }
0x64: {  	_ =	shalt  }
0x65: {  	_ =	shalt  }
0x66: {  	_ =	shalt  }
0x67: {  	_ =	shalt  }
0x68: {  	_ =	shalt  }
0x69: {  	_ =	shalt  }
0x6a: {  	_ =	shalt  }
0x6b: {  	_ =	shalt  }
0x6c: {  	_ =	shalt  }
0x6d: {  	_ =	shalt  }
0x6e: {  	_ =	shalt  }
0x6f: {  	_ =	shalt  }
0x70: {  	_ =	shalt  }
0x71: {  	_ =	shalt  }
0x72: {  	_ =	shalt  }
0x73: {  	_ =	shalt  }
0x74: {  	_ =	shalt  }
0x75: {  	_ =	shalt  }
0x76: {  	_ =	shalt  }
0x77: {  	_ =	shalt  }
0x78: {  	_ =	shalt  }
0x79: {  	_ =	shalt  }
0x7a: {  	_ =	shalt  }
0x7b: {  	_ =	shalt  }
0x7c: {  	_ =	shalt  }
0x7d: {  	_ =	shalt  }
0x7e: {  	_ =	shalt  }
0x7f: {  	_ =	shalt  }
0x80: {  	_ =	shalt  }
0x81: {  	_ =	shalt  }
0x82: {  	_ =	shalt  }
0x83: {  	_ =	shalt  }
0x84: {  	_ =	shalt  }
0x85: {  	_ =	shalt  }
0x86: {  	_ =	shalt  }
0x87: {  	_ =	shalt  }
.Lfunc_end0:
.L_simem_size_0:
called_computation_lowered:
.L_overlay_start_0:
0x88: {  	s2 =	sld [smem:$0x3FD9]  }
0x89: {  	s3 =	sld [smem:$0x3FFE];
	_ =	sdelay $0x1  }
0x8a: {  	s1 =	srdreg.scid  }
0x8b: {  	s0 =	sand.u32 $0x1, s1  }
0x8c: {  	s17 =	sshll.u32 s0, $0xA;
	s2 =	sadd.s32 s3, s2  }
0x8d: {  	s2 =	sadd.s32 s2, s17  }
0x8e: {  	[smem:$0x3FC2] =	sst s2  }
0x8f: {  	_ = 	snop  }
0x90: {  	s2 =	sld [smem:$0x3FC9]  }
0x91: {  	s18 =	sld [smem:$0x3FC8]  }
0x92: {  	s4 =	sld [smem:$0x3FC7]  }
0x93: {  	s5 =	sld [smem:$0x3FD0];
	(tm) =	ssettm $0x1  }
0x94: {  	s6 =	sld [smem:$0x3FFB];
	_ =	sdelay $0x3  }
0x95: {  	_ =	strace s6  }
0x96: {  	s6 =	sld [smem:$0x3FFC];
	_ =	sdelay $0x3  }
0x97: {  	_ =	strace s6  }
0x98: {  	s6 =	sld [smem:$0x3FFD];
	_ =	sdelay $0x3  }
0x99: {  	_ =	strace s6  }
0x9a: {  	_ =	strace $0x8FFFFFFF  }
0x9b: {  	s19 =	sld [smem:$0x3FDB];
	_ =	sdelay $0x1  }
0x9c: {  	s7 =	simm.s32 $_scs_section_size  }
0x9d: {  	s8 =	simm.s32 $_size__tile_overlayer_lowered;
	s9 =	simm.s32 $_tile_overlayer_lowered  }
0x9e: {  	s22 =	simm.s32 $0x1BFF;
	s21 =	sshll.u32 s9, $0x1;
	s6 =	sadd.s32 s7, s19  }
0x9f: {  	s10 =	simm.s32 $0x0;
	s20 =	sshll.u32 s8, $0x1;
	s8 =	sadd.s32 s21, s6  }
0xa0: {  	[timem:s10], [sflag:s22] =	dma.local [hbm:s8], s20  }
0xa1: {  	_ =	swait.ge [sflag:s22], s20  }
0xa2: {  	s7 =	ssub.s32 $0x0, s20;
	[sflag:s22] =	ssyncset.done $0x0  }
0xa3: {  	[sflag:s22] =	ssyncadd.s32 s7;
	_ =	sdelay $0x1  }
0xa4: {  	s23 =	simm.s32 $0x1B8B  }
0xa5: {  	_ =	swait.ge [sflag:s23], $0x1  }
0xa6: {  	[sflag:s23] =	ssyncset.done $0x0  }
0xa7: {  	s25 =	simm.s32 $0x1B8E;
	s24 =	sld [smem:$0x3FFE];
	[sflag:s23] =	ssyncadd.s32 $0xFFFFFFFF  }
0xa8: {  	s26 =	simm.s32 $execute0_lowered;
	[smem:$0x3FD2] =	sst s25  }
0xa9: {  	s8 =	sshll.u32 s26, $0x1;
	_ =	strace $0x80000046;
	[dreg:$0x1] =	wrdreg $0xFFFFFFFF  }
0xaa: {  	s28 =	simm.s32 $_size_execute0_lowered;
	s6 =	sadd.s32 s6, s8;
	[dreg:$0x0] =	wrdreg $0x0  }
0xab: {  	s8 =	sshll.u32 s28, $0x1;
	[dreg:$0x2] =	wrdreg s6  }
0xac: {  	[dreg:$0x3] =	wrdreg s8  }
0xad: {  	[dreg:$0x4] =	wrdreg $0xC0  }
0xae: {  	_ =	task [dreg:s10], $0x5FFFF  }
0xaf: {  	[dreg:$0x1] =	wrdreg $0xFFFFFFFF  }
0xb0: {  	[dreg:$0x0] =	wrdreg $0x60  }
0xb1: {  	[dreg:$0x2] =	wrdreg s2  }
0xb2: {  	[dreg:$0x3] =	wrdreg s18  }
0xb3: {  	[dreg:$0x4] =	wrdreg s4  }
0xb4: {  	[dreg:$0x5] =	wrdreg s24  }
0xb5: {  	[dreg:$0x6] =	wrdreg s5  }
0xb6: {  	[dreg:$0x7] =	wrdreg $0x9  }
0xb7: {  	_ =	task.clear_ibuf [dreg:s10], $0x8FFFF;
	_ =	strace $0x90000046  }
0xb8: {  	s29 =	simm.s32 $0x9;
	_ =	strace $0x80000048  }
0xb9: {  	_ =	swait.ge [sflag:s29], $0x1  }
0xba: {  	[sflag:s29] =	ssyncadd.s32 $0xFFFFFFFF  }
0xbb: {  	_ =	strace $0x90000048  }
0xbc: {  	_ =	sfence  }
0xbd: {  	s30 =	sld [smem:$0x0];
	_ =	sdelay $0x2  }
0xbe: {  	s31 =	sshll.u32 s1, $0xD;
	s1 =	sshrl.u32 s1, $0x2  }
0xbf: {  	s3 =	sand.u32 $0x4000, s31;
	s1 =	sadd.s32 s1, s30  }
0xc0: {  	s0 =	sor.u32 s3, s0;
	s1 =	sshll.u32 s1, $0x11  }
0xc1: {  	s0 =	sor.u32 s1, s0  }
0xc2: {  	s0 =	sadd.s32 $0x8F2B, s0  }
0xc3: {  	[sflag:s0] =	ssyncadd.remote.s32 $0x1  }
0xc4: {  	_ =	sfence.sel $0xFFFF  }
0xc5: {  	[dreg:$0x0] =	wrdreg $0xFFFFFFFF;
	(pc) =	sbr.abs _section_cstart, $3  }
0xc6: {  	[dreg:$0x1] =	wrdreg $0xFFFFFFFF  }
0xc7: {  	_ =	task.clear_ibuf [dreg:s10], $0x2FFFF;
	_ =	strace $0x9FFFFFFF  }
0xc8: {  	(tm) =	ssettm $0x7FFFFFFF  }
0xc9: {  	_ =	shalt  }
tec
execute0_lowered:
.L_overlay_start_1:
0x0: {  	(tag) =	ssettag $0x1  }
0x1: {  	s6 =	rddreg [dreg:$0x0]  }
0x2: {  	s7 =	rddreg [dreg:$0x1]  }
0x3: {  	s8 =	rddreg [dreg:$0x2]  }
0x4: {  	s5 =	rddreg [dreg:$0x3]  }
0x5: {  	s9 =	rddreg [dreg:$0x4]  }
0x6: {  	s0 =	rddreg [dreg:$0x5];
	s1 =	simm.s32 $0x0  }
0x7: {  	s4 =	srdreg.scid;
	s2 =	stileid.u32;
	s14 =	simm.s32 $0xA00  }
0x8: {  	s15 =	simm.s32 $0x100;
	s16 =	simm.s32 $0x1200;
	s17 =	simm.s32 $0x180  }
0x9: {  	s18 =	simm.s32 $0x1A00;
	s19 =	simm.s32 $0x2600;
	s20 =	simm.s32 $0x2738  }
0xa: {  	s21 =	simm.s32 $0x1;
	s22 =	simm.s32 $0x3138;
	s23 =	simm.s32 $0x0  }
0xb: {  	[smem:$0x7FF] =	sst s1;
	s3 =	sadd.s32 $0xF42C00, s5;
	s10 =	sand.u32 $0x1, s4  }
0xc: {  	s4 =	sadd.s32 $0x800, s5;
	s12 =	sshll.u32 s2, $0x1;
	s5 =	sadd.s32 $0xA00, s5  }
0xd: {  	_ =	strace $0x80000047;
	s11 =	ssub.s32 $0x2, s10;
	s10 =	sor.u32 s10, s12  }
0xe: {  	s13 =	sshrl.u32 s11, $0x1;
	s12 =	sshll.u32 s10, $0x6;
	s10 =	smul.u32 $0x280, s10  }
0xf: {  	s11 =	ssub.s32 s11, s13;
	s6 =	sadd.s32 s6, s12;
	s7 =	sadd.s32 s7, s12  }
0x10: {  	s8 =	sadd.s32 s8, s12;
	s12 =	simm.s32 $0x80;
	s13 =	simm.s32 $0x200  }
0x11: {  	v47 =	vlaneseq.u32;
	s9 =	sadd.s32 s9, s10;
	s10 =	smax.u32 s11, $0x1;
	s11 =	simm.s32 $0x2  }
.LBB2_1:
0x12: {  	[tilespmem:s1], [sflag:$0x2] =	stream.linear.gather [hbm4b:s6+s1], $0x200, $0x38;
	[tilespmem:$0x4538] =	vst v63  }
0x13: {  	_ =	swait.ge [sflag:s11], $0x200  }
0x14: {  	[sflag:s11] =	ssyncset.done $0x0  }
0x15: {  	[sflag:s11] =	ssyncadd.s32 $0xFFFFFE00  }
0x16: {  	[tilespmem:s13], [sflag:$0x1] =	stream.indirect.gather [hbm4b:s3+s12], $0x10, s1, s12, $0xb8;
	[tilespmem:$0x4538] =	vst v63  }
0x17: {  	_ = 	snop  }
0x18: {  	[tilespmem:s14], [sflag:$0x1] =	stream.indirect.gather [hbm4b:s3+s12], $0x10, s12, s12, $0xb8;
	[tilespmem:$0x4538] =	vst v63  }
0x19: {  	_ = 	snop  }
0x1a: {  	[tilespmem:s16], [sflag:$0x1] =	stream.indirect.gather [hbm4b:s3+s12], $0x10, s15, s12, $0xb8;
	[tilespmem:$0x4538] =	vst v63  }
0x1b: {  	_ = 	snop  }
0x1c: {  	[tilespmem:s18], [sflag:$0x1] =	stream.indirect.gather [hbm4b:s3+s12], $0x10, s17, s12, $0xb8;
	[tilespmem:$0x4538] =	vst v63  }
0x1d: {  	s24 =	simm.s32 $0x2200  }
0x1e: {  	[tilespmem:s24], [sflag:$0x2] =	stream.linear.gather [hbm4b:s7+s1], $0x200, $0x38;
	[tilespmem:$0x4538] =	vst v63  }
0x1f: {  	_ =	swait.ge [sflag:s11], $0x200  }
0x20: {  	[sflag:s11] =	ssyncset.done $0x0  }
0x21: {  	s25 =	simm.s32 $0x2400;
	[sflag:s11] =	ssyncadd.s32 $0xFFFFFE00  }
0x22: {  	[tilespmem:s25], [sflag:$0x2] =	stream.linear.gather [hbm4b:s8+s1], $0x200, $0x38;
	[tilespmem:$0x4538] =	vst v63  }
0x23: {  	_ =	swait.ge [sflag:s11], $0x200  }
0x24: {  	[sflag:s11] =	ssyncset.done $0x0  }
0x25: {  	[sflag:s11] =	ssyncadd.s32 $0xFFFFFE00  }
0x26: {  	[tilespmem:s19], [sflag:$0x2] =	stream.linear.gather [hbm4b:s5+s1], $0x138, $0x38;
	[tilespmem:$0x4538] =	vst v63  }
0x27: {  	_ =	swait.ge [sflag:s11], $0x138  }
0x28: {  	[sflag:s11] =	ssyncset.done $0x0  }
0x29: {  	[sflag:s11] =	ssyncadd.s32 $0xFFFFFEC8  }
0x2a: {  	[tilespmem:s20], [sflag:$0x2] =	stream.linear.gather [hbm4b:s4+s1], $0xA00, $0x38;
	[tilespmem:$0x4538] =	vst v63  }
0x2b: {  	_ =	swait.ge [sflag:s11], $0xA00  }
0x2c: {  	[sflag:s11] =	ssyncset.done $0x0  }
0x2d: {  	[sflag:s11] =	ssyncadd.s32 $0xFFFFF600  }
0x2e: {  	_ =	swait.ge [sflag:s21], $0x800  }
0x2f: {  	[sflag:s21] =	ssyncset.done $0x0  }
0x30: {  	[sflag:s21] =	ssyncadd.s32 $0xFFFFF800  }
0x31: {  	_ =	swait.ge [sflag:s21], $0x800  }
0x32: {  	[sflag:s21] =	ssyncset.done $0x0  }
0x33: {  	[sflag:s21] =	ssyncadd.s32 $0xFFFFF800  }
0x34: {  	_ =	swait.ge [sflag:s21], $0x800  }
0x35: {  	[sflag:s21] =	ssyncset.done $0x0  }
0x36: {  	[sflag:s21] =	ssyncadd.s32 $0xFFFFF800  }
0x37: {  	_ =	swait.ge [sflag:s21], $0x800  }
0x38: {  	[sflag:s21] =	ssyncset.done $0x0  }
0x39: {  	[sflag:s21] =	ssyncadd.s32 $0xFFFFF800  }
0x3a: {  	v6 =	vld [tilespmem:$0x2738]  }
0x3b: {  	v13 =	vld [tilespmem:$0x2748]  }
0x3c: {  	v14 =	vld [tilespmem:$0x2758]  }
0x3d: {  	v16 =	vld [tilespmem:$0x2768]  }
0x3e: {  	v17 =	vld [tilespmem:$0x2778]  }
0x3f: {  	v18 =	vld [tilespmem:$0x2788]  }
0x40: {  	v19 =	vld [tilespmem:$0x2798]  }
0x41: {  	v20 =	vld [tilespmem:$0x27A8]  }
0x42: {  	v21 =	vld [tilespmem:$0x27B8]  }
0x43: {  	v23 =	vor.u32 s1, v47;
	v22 =	vld [tilespmem:$0x27C8]  }
0x44: {  	v1 =	vshll.u32 v23, $0x4;
	v24 =	vld [tilespmem:$0x27D8]  }
0x45: {  	v2 =	vor.u32 $0x1, v1;
	v25 =	vld [tilespmem:$0x27E8]  }
0x46: {  	v3 =	vor.u32 $0x2, v1;
	v26 =	vld [tilespmem:$0x27F8]  }
0x47: {  	v5 =	vor.u32 $0x3, v1;
	v4 =	vld [tilespmem:s24+$0x0]  }
0x48: {  	v8 =	vor.u32 $0x4, v1;
	v7 =	vld [tilespmem:s25+$0x0]  }
0x49: {  	v10 =	vor.u32 $0x5, v1;
	v9 =	vld.idx.msk [tilespmem:v1+s13+$0x0], $0xffff  }
0x4a: {  	v11 =	vor.u32 $0x6, v1;
	v12 =	vld.idx.msk [tilespmem:v2+s13+$0x0], $0xffff  }
0x4b: {  	v41 =	vor.u32 $0x7, v1;
	v15 =	vld.idx.msk [tilespmem:v3+s13+$0x0], $0xffff  }
0x4c: {  	v42 =	vor.u32 $0x8, v1;
	v27 =	vld.idx.msk [tilespmem:v5+s13+$0x0], $0xffff  }
0x4d: {  	v28 =	vor.u32 $0xA, v1;
	v8 =	vld.idx.msk [tilespmem:v8+s13+$0x0], $0xffff  }
0x4e: {  	v29 =	vor.u32 $0xB, v1;
	v10 =	vld.idx.msk [tilespmem:v10+s13+$0x0], $0xffff  }
0x4f: {  	v31 =	vor.u32 $0xC, v1;
	v11 =	vld.idx.msk [tilespmem:v11+s13+$0x0], $0xffff  }
0x50: {  	v33 =	vor.u32 $0xD, v1;
	v30 =	vld.idx.msk [tilespmem:v41+s13+$0x0], $0xffff  }
0x51: {  	v32 =	vld.idx.msk [tilespmem:v42+s13+$0x0], $0xffff  }
0x52: {  	v28 =	vld.idx.msk [tilespmem:v28+s13+$0x0], $0xffff  }
0x53: {  	v35 =	vor.u32 $0xE, v1;
	v36 =	vor.u32 $0xF, v1;
	v5 =	vor.u32 $0x9, v1;
	v29 =	vld.idx.msk [tilespmem:v29+s13+$0x0], $0xffff  }
0x54: {  	v31 =	vld.idx.msk [tilespmem:v31+s13+$0x0], $0xffff;
	v63 =	vmul.u32 $0xA, v4;
	v45 =	vmul.u32 $0xA, v7;
	v52 =	vmax.f32 v9, $0.0e+00  }
0x55: {  	v33 =	vld.idx.msk [tilespmem:v33+s13+$0x0], $0xffff;
	v53 =	vmax.f32 v12, $0.0e+00;
	v56 =	vmax.f32 v15, $0.0e+00;
	v49 =	vmax.f32 v27, $0.0e+00  }
0x56: {  	v43 =	vld [tilespmem:$0x2808];
	v7 =	vmax.f32 v8, $0.0e+00;
	v57 =	vmax.f32 v10, $0.0e+00;
	v12 =	vmax.f32 v11, $0.0e+00  }
0x57: {  	v46 =	vld [tilespmem:$0x2818];
	v15 =	vmax.f32 v30, $0.0e+00;
	v59 =	vmax.f32 v28, $0.0e+00;
	v37 =	vmul.f32 v6, v52  }
0x58: {  	v34 =	vld.idx.msk [tilespmem:v5+s13+$0x0], $0xffff;
	v48 =	vmax.f32 v29, $0.0e+00;
	v28 =	vmul.f32 v13, v53;
	v29 =	vmul.f32 v14, v56  }
0x59: {  	v55 =	vmax.f32 v32, $0.0e+00;
	v30 =	vld.idx.msk [tilespmem:v36+s13+$0x0], $0xffff;
	v44 =	vmul.f32 v16, v49;
	v17 =	vmul.f32 v17, v7  }
0x5a: {  	v27 =	vld.idx.msk [tilespmem:v35+s13+$0x0], $0xffff;
	v58 =	vmax.f32 v31, $0.0e+00;
	v31 =	vmul.f32 v18, v57;
	v60 =	vmul.f32 v19, v12  }
0x5b: {  	v54 =	vld [tilespmem:$0x2828];
	v18 =	vmax.f32 v33, $0.0e+00;
	v20 =	vmul.f32 v20, v15;
	v21 =	vmul.f32 v21, v55  }
0x5c: {  	v24 =	vmul.f32 v24, v59;
	v25 =	vmul.f32 v25, v48;
	v28 =	vadd.f32 v28, v37  }
0x5d: {  	v26 =	vmul.f32 v26, v58;
	v29 =	vadd.f32 v44, v29;
	v17 =	vadd.f32 v31, v17  }
0x5e: {  	v51 =	vmax.f32 v34, $0.0e+00;
	v16 =	vmax.f32 v30, $0.0e+00;
	v30 =	vadd.s32 $0x64, v45  }
0x5f: {  	v50 =	vmax.f32 v27, $0.0e+00;
	v27 =	vmul.f32 v43, v18;
	v22 =	vmul.f32 v22, v51  }
0x60: {  	v20 =	vadd.f32 v20, v60;
	v61 =	vmul.f32 v46, v50;
	v31 =	vmul.f32 v54, v16  }
0x61: {  	v21 =	vadd.f32 v22, v21;
	v22 =	vadd.f32 v25, v24  }
0x62: {  	v24 =	vadd.f32 v27, v26;
	v25 =	vadd.f32 v31, v61;
	v26 =	vld.idx.msk [tilespmem:v63+s19+$0x0], $0xffff  }
0x63: {  	v17 =	vadd.f32 v20, v17;
	v27 =	vadd.f32 v29, v28;
	v20 =	vld.idx.msk [tilespmem:v30+s19+$0x0], $0xffff  }
0x64: {  	v21 =	vadd.f32 v22, v21;
	v22 =	vadd.f32 v25, v24;
	_ =	sdelay $0x1  }
0x65: {  	v19 =	vmul.u32 $0xA, v23;
	v24 =	vadd.f32 v17, v27;
	v21 =	vadd.f32 v22, v21;
	_ =	sdelay $0x1  }
0x66: {  	v21 =	vadd.f32 v21, v24;
	v20 =	vadd.f32 v20, v26;
	_ =	sdelay $0x1  }
0x67: {  	v20 =	vadd.f32 v21, v20;
	_ =	sdelay $0x1  }
0x68: {  	[tilespmem:v19+s22+$0x0] =	vst.idx.msk $0xffff, v20  }
0x69: {  	v20 =	vld [tilespmem:$0x2838]  }
0x6a: {  	v21 =	vld [tilespmem:$0x2848]  }
0x6b: {  	v22 =	vld [tilespmem:$0x2858]  }
0x6c: {  	v23 =	vld [tilespmem:$0x2868]  }
0x6d: {  	v24 =	vld [tilespmem:$0x2878]  }
0x6e: {  	v25 =	vld [tilespmem:$0x2888]  }
0x6f: {  	v26 =	vld [tilespmem:$0x2898]  }
0x70: {  	v27 =	vld [tilespmem:$0x28A8]  }
0x71: {  	v28 =	vld [tilespmem:$0x28B8]  }
0x72: {  	v29 =	vld [tilespmem:$0x28C8]  }
0x73: {  	v30 =	vld [tilespmem:$0x28D8]  }
0x74: {  	v31 =	vld [tilespmem:$0x28E8]  }
0x75: {  	v62 =	vld [tilespmem:$0x28F8];
	v20 =	vmul.f32 v20, v52;
	v21 =	vmul.f32 v21, v53  }
0x76: {  	v0 =	vld [tilespmem:$0x2908];
	v22 =	vmul.f32 v22, v56;
	v23 =	vmul.f32 v23, v49  }
0x77: {  	v1 =	vld [tilespmem:$0x2918];
	v24 =	vmul.f32 v24, v7;
	v25 =	vmul.f32 v25, v57  }
0x78: {  	v2 =	vld [tilespmem:$0x2928];
	v26 =	vmul.f32 v26, v12;
	v27 =	vmul.f32 v27, v15  }
0x79: {  	v28 =	vmul.f32 v28, v55;
	v29 =	vmul.f32 v29, v51  }
0x7a: {  	v3 =	vor.u32 $0x1, v63;
	v30 =	vmul.f32 v30, v59;
	v31 =	vmul.f32 v31, v48  }
0x7b: {  	v9 =	vadd.s32 $0x65, v45;
	v32 =	vmul.f32 v62, v58;
	v33 =	vmul.f32 v0, v18  }
0x7c: {  	v34 =	vmul.f32 v1, v50;
	v20 =	vadd.f32 v21, v20;
	v21 =	vadd.f32 v23, v22  }
0x7d: {  	v22 =	vmul.f32 v2, v16;
	v23 =	vadd.f32 v25, v24;
	v24 =	vadd.f32 v27, v26  }
0x7e: {  	v25 =	vadd.f32 v29, v28;
	v26 =	vadd.f32 v31, v30  }
0x7f: {  	v27 =	vld.idx.msk [tilespmem:v3+s19+$0x0], $0xffff;
	v28 =	vadd.f32 v33, v32;
	v22 =	vadd.f32 v22, v34  }
0x80: {  	v29 =	vld.idx.msk [tilespmem:v9+s19+$0x0], $0xffff;
	v20 =	vadd.f32 v21, v20;
	v21 =	vadd.f32 v24, v23  }
0x81: {  	v23 =	vadd.f32 v26, v25;
	v22 =	vadd.f32 v22, v28;
	_ =	sdelay $0x1  }
0x82: {  	v20 =	vadd.f32 v21, v20;
	v21 =	vadd.f32 v22, v23  }
0x83: {  	v22 =	vor.u32 $0x1, v19  }
0x84: {  	v23 =	vadd.f32 v29, v27;
	v20 =	vadd.f32 v21, v20;
	_ =	sdelay $0x1  }
0x85: {  	v20 =	vadd.f32 v20, v23;
	_ =	sdelay $0x1  }
0x86: {  	[tilespmem:v22+s22+$0x0] =	vst.idx.msk $0xffff, v20  }
0x87: {  	v20 =	vld [tilespmem:$0x2938]  }
0x88: {  	v21 =	vld [tilespmem:$0x2948]  }
0x89: {  	v22 =	vld [tilespmem:$0x2958]  }
0x8a: {  	v23 =	vld [tilespmem:$0x2968]  }
0x8b: {  	v24 =	vld [tilespmem:$0x2978]  }
0x8c: {  	v25 =	vld [tilespmem:$0x2988]  }
0x8d: {  	v26 =	vld [tilespmem:$0x2998]  }
0x8e: {  	v27 =	vld [tilespmem:$0x29A8]  }
0x8f: {  	v28 =	vld [tilespmem:$0x29B8]  }
0x90: {  	v29 =	vld [tilespmem:$0x29C8]  }
0x91: {  	v30 =	vld [tilespmem:$0x29D8]  }
0x92: {  	v31 =	vld [tilespmem:$0x29E8]  }
0x93: {  	v10 =	vld [tilespmem:$0x29F8];
	v20 =	vmul.f32 v20, v52;
	v21 =	vmul.f32 v21, v53  }
0x94: {  	v11 =	vld [tilespmem:$0x2A08];
	v22 =	vmul.f32 v22, v56;
	v23 =	vmul.f32 v23, v49  }
0x95: {  	v40 =	vld [tilespmem:$0x2A18];
	v24 =	vmul.f32 v24, v7;
	v25 =	vmul.f32 v25, v57  }
0x96: {  	v41 =	vld [tilespmem:$0x2A28];
	v26 =	vmul.f32 v26, v12;
	v27 =	vmul.f32 v27, v15  }
0x97: {  	v28 =	vmul.f32 v28, v55;
	v29 =	vmul.f32 v29, v51  }
0x98: {  	v42 =	vadd.s32 $0x2, v63;
	v30 =	vmul.f32 v30, v59;
	v31 =	vmul.f32 v31, v48  }
0x99: {  	v43 =	vadd.s32 $0x66, v45;
	v32 =	vmul.f32 v10, v58;
	v33 =	vmul.f32 v11, v18  }
0x9a: {  	v34 =	vmul.f32 v40, v50;
	v20 =	vadd.f32 v21, v20;
	v21 =	vadd.f32 v23, v22  }
0x9b: {  	v22 =	vmul.f32 v41, v16;
	v23 =	vadd.f32 v25, v24;
	v24 =	vadd.f32 v27, v26  }
0x9c: {  	v25 =	vadd.f32 v29, v28;
	v26 =	vadd.f32 v31, v30  }
0x9d: {  	v27 =	vld.idx.msk [tilespmem:v42+s19+$0x0], $0xffff;
	v28 =	vadd.f32 v33, v32;
	v22 =	vadd.f32 v22, v34  }
0x9e: {  	v29 =	vld.idx.msk [tilespmem:v43+s19+$0x0], $0xffff;
	v20 =	vadd.f32 v21, v20;
	v21 =	vadd.f32 v24, v23  }
0x9f: {  	v23 =	vadd.f32 v26, v25;
	v22 =	vadd.f32 v22, v28;
	_ =	sdelay $0x1  }
0xa0: {  	v20 =	vadd.f32 v21, v20;
	v21 =	vadd.f32 v22, v23  }
0xa1: {  	v22 =	vadd.s32 $0x2, v19  }
0xa2: {  	v23 =	vadd.f32 v29, v27;
	v20 =	vadd.f32 v21, v20;
	_ =	sdelay $0x1  }
0xa3: {  	v20 =	vadd.f32 v20, v23;
	_ =	sdelay $0x1  }
0xa4: {  	[tilespmem:v22+s22+$0x0] =	vst.idx.msk $0xffff, v20  }
0xa5: {  	v20 =	vld [tilespmem:$0x2A38]  }
0xa6: {  	v21 =	vld [tilespmem:$0x2A48]  }
0xa7: {  	v22 =	vld [tilespmem:$0x2A58]  }
0xa8: {  	v23 =	vld [tilespmem:$0x2A68]  }
0xa9: {  	v24 =	vld [tilespmem:$0x2A78]  }
0xaa: {  	v25 =	vld [tilespmem:$0x2A88]  }
0xab: {  	v26 =	vld [tilespmem:$0x2A98]  }
0xac: {  	v27 =	vld [tilespmem:$0x2AA8]  }
0xad: {  	v28 =	vld [tilespmem:$0x2AB8]  }
0xae: {  	v29 =	vld [tilespmem:$0x2AC8]  }
0xaf: {  	v30 =	vld [tilespmem:$0x2AD8]  }
0xb0: {  	v31 =	vld [tilespmem:$0x2AE8]  }
0xb1: {  	v44 =	vld [tilespmem:$0x2AF8];
	v20 =	vmul.f32 v20, v52;
	v21 =	vmul.f32 v21, v53  }
0xb2: {  	v46 =	vld [tilespmem:$0x2B08];
	v22 =	vmul.f32 v22, v56;
	v23 =	vmul.f32 v23, v49  }
0xb3: {  	v54 =	vld [tilespmem:$0x2B18];
	v24 =	vmul.f32 v24, v7;
	v25 =	vmul.f32 v25, v57  }
0xb4: {  	v60 =	vld [tilespmem:$0x2B28];
	v26 =	vmul.f32 v26, v12;
	v27 =	vmul.f32 v27, v15  }
0xb5: {  	v28 =	vmul.f32 v28, v55;
	v29 =	vmul.f32 v29, v51  }
0xb6: {  	v61 =	vadd.s32 $0x3, v63;
	v30 =	vmul.f32 v30, v59;
	v31 =	vmul.f32 v31, v48  }
0xb7: {  	v62 =	vadd.s32 $0x67, v45;
	v32 =	vmul.f32 v44, v58;
	v33 =	vmul.f32 v46, v18  }
0xb8: {  	v34 =	vmul.f32 v54, v50;
	v20 =	vadd.f32 v21, v20;
	v21 =	vadd.f32 v23, v22  }
0xb9: {  	v22 =	vmul.f32 v60, v16;
	v23 =	vadd.f32 v25, v24;
	v24 =	vadd.f32 v27, v26  }
0xba: {  	v25 =	vadd.f32 v29, v28;
	v26 =	vadd.f32 v31, v30  }
0xbb: {  	v27 =	vld.idx.msk [tilespmem:v61+s19+$0x0], $0xffff;
	v28 =	vadd.f32 v33, v32;
	v22 =	vadd.f32 v22, v34  }
0xbc: {  	v29 =	vld.idx.msk [tilespmem:v62+s19+$0x0], $0xffff;
	v20 =	vadd.f32 v21, v20;
	v21 =	vadd.f32 v24, v23  }
0xbd: {  	v23 =	vadd.f32 v26, v25;
	v22 =	vadd.f32 v22, v28;
	_ =	sdelay $0x1  }
0xbe: {  	v20 =	vadd.f32 v21, v20;
	v21 =	vadd.f32 v22, v23  }
0xbf: {  	v22 =	vadd.s32 $0x3, v19  }
0xc0: {  	v23 =	vadd.f32 v29, v27;
	v20 =	vadd.f32 v21, v20;
	_ =	sdelay $0x1  }
0xc1: {  	v20 =	vadd.f32 v20, v23;
	_ =	sdelay $0x1  }
0xc2: {  	[tilespmem:v22+s22+$0x0] =	vst.idx.msk $0xffff, v20  }
0xc3: {  	v27 =	vld [tilespmem:$0x2B38]  }
0xc4: {  	v29 =	vld [tilespmem:$0x2B48]  }
0xc5: {  	v25 =	vld [tilespmem:$0x2B58]  }
0xc6: {  	v28 =	vld [tilespmem:$0x2B68]  }
0xc7: {  	v23 =	vld [tilespmem:$0x2B78]  }
0xc8: {  	v26 =	vld [tilespmem:$0x2B88]  }
0xc9: {  	v22 =	vld [tilespmem:$0x2B98]  }
0xca: {  	v24 =	vld [tilespmem:$0x2BA8]  }
0xcb: {  	v20 =	vld [tilespmem:$0x2BB8]  }
0xcc: {  	s26 =	simm.s32 $0x10;
	v21 =	vld [tilespmem:$0x2BC8]  }
.LBB2_2:
0xcd: {  	v30 =	vld [tilespmem:$0x2BD8]  }
0xce: {  	v31 =	vld [tilespmem:$0x2BE8]  }
0xcf: {  	v32 =	vld [tilespmem:$0x2BF8];
	v27 =	vmul.f32 v27, v52;
	v29 =	vmul.f32 v29, v53  }
0xd0: {  	v33 =	vld [tilespmem:$0x2C08];
	v25 =	vmul.f32 v25, v56;
	v28 =	vmul.f32 v28, v49  }
0xd1: {  	v34 =	vld [tilespmem:$0x2C18];
	v23 =	vmul.f32 v23, v7;
	v26 =	vmul.f32 v26, v57  }
0xd2: {  	v35 =	vld [tilespmem:$0x2C28];
	v22 =	vmul.f32 v22, v12;
	v24 =	vmul.f32 v24, v15  }
0xd3: {  	v20 =	vmul.f32 v20, v55;
	v21 =	vmul.f32 v21, v51  }
0xd4: {  	v36 =	vadd.s32 $0x4, v63;
	v30 =	vmul.f32 v30, v59;
	v31 =	vmul.f32 v31, v48  }
0xd5: {  	v37 =	vadd.s32 $0x68, v45;
	v32 =	vmul.f32 v32, v58;
	v33 =	vmul.f32 v33, v18  }
0xd6: {  	v34 =	vmul.f32 v34, v50;
	v27 =	vadd.f32 v29, v27;
	v25 =	vadd.f32 v28, v25  }
0xd7: {  	v28 =	vmul.f32 v35, v16;
	v23 =	vadd.f32 v26, v23;
	v22 =	vadd.f32 v24, v22  }
0xd8: {  	v20 =	vadd.f32 v21, v20;
	v21 =	vadd.f32 v31, v30  }
0xd9: {  	v24 =	vld.idx.msk [tilespmem:v36+s19+$0x0], $0xffff;
	v29 =	vadd.f32 v33, v32;
	v28 =	vadd.f32 v28, v34  }
0xda: {  	v26 =	vld.idx.msk [tilespmem:v37+s19+$0x0], $0xffff;
	v25 =	vadd.f32 v25, v27;
	v22 =	vadd.f32 v22, v23  }
0xdb: {  	v20 =	vadd.f32 v21, v20;
	v21 =	vadd.f32 v28, v29;
	_ =	sdelay $0x1  }
0xdc: {  	v22 =	vadd.f32 v22, v25;
	v20 =	vadd.f32 v21, v20  }
0xdd: {  	v21 =	vadd.s32 $0x4, v19  }
0xde: {  	v23 =	vadd.f32 v26, v24;
	v20 =	vadd.f32 v20, v22  }
0xdf: {  	v0 =	vld [tilespmem:$0x2758]  }
0xe0: {  	v27 =	vld [tilespmem:$0x2768];
	v20 =	vadd.f32 v20, v23  }
0xe1: {  	v25 =	vld [tilespmem:$0x2748]  }
0xe2: {  	v24 =	vld [tilespmem:$0x2738];
	[tilespmem:v21+s22+$0x0] =	vst.idx.msk $0xffff, v20  }
0xe3: {  	v20 =	vld [tilespmem:$0x2C38]  }
0xe4: {  	v21 =	vld [tilespmem:$0x2C48]  }
0xe5: {  	v23 =	vld [tilespmem:$0x2C58]  }
0xe6: {  	v26 =	vld [tilespmem:$0x2C68]  }
0xe7: {  	v28 =	vld [tilespmem:$0x2C78]  }
0xe8: {  	v29 =	vld [tilespmem:$0x2C88]  }
0xe9: {  	v30 =	vld [tilespmem:$0x2C98]  }
0xea: {  	v31 =	vld [tilespmem:$0x2CA8]  }
0xeb: {  	[tilespmem:$0x1FFB0] =	vst v0;
	v0 =	vld [tilespmem:$0x2CB8]  }
0xec: {  	v1 =	vld [tilespmem:$0x2CC8]  }
0xed: {  	v2 =	vld [tilespmem:$0x2CD8]  }
0xee: {  	v3 =	vld [tilespmem:$0x2CE8]  }
0xef: {  	v9 =	vld [tilespmem:$0x2CF8];
	v20 =	vmul.f32 v20, v52;
	v21 =	vmul.f32 v21, v53  }
0xf0: {  	v10 =	vld [tilespmem:$0x2D08];
	v23 =	vmul.f32 v23, v56;
	v26 =	vmul.f32 v26, v49  }
0xf1: {  	v11 =	vadd.s32 $0x69, v45;
	v42 =	vld [tilespmem:$0x2D18];
	v28 =	vmul.f32 v28, v7;
	v38 =	vmul.f32 v29, v57  }
0xf2: {  	v43 =	vld [tilespmem:$0x2D28];
	v30 =	vmul.f32 v30, v12;
	v31 =	vmul.f32 v31, v15  }
0xf3: {  	v39 =	vld [tilespmem:$0x2788];
	v32 =	vmul.f32 v0, v55;
	v33 =	vmul.f32 v1, v51  }
0xf4: {  	v40 =	vld [tilespmem:$0x2798];
	v34 =	vmul.f32 v2, v59;
	v35 =	vmul.f32 v3, v48  }
0xf5: {  	v44 =	vadd.s32 $0x5, v63;
	v41 =	vld [tilespmem:$0x27A8];
	v36 =	vmul.f32 v9, v58;
	v37 =	vmul.f32 v10, v18  }
0xf6: {  	v54 =	vld.idx.msk [tilespmem:v11+s19+$0x0], $0xffff;
	v46 =	vmul.f32 v42, v50;
	v20 =	vadd.f32 v21, v20;
	v21 =	vadd.f32 v26, v23  }
0xf7: {  	v14 =	vmovc v45;
	v45 =	vld [tilespmem:$0x27E8];
	v23 =	vmul.f32 v43, v16;
	v26 =	vadd.f32 v38, v28;
	v28 =	vadd.f32 v31, v30  }
0xf8: {  	v61 =	vor.u32 s26, v47;
	v47 =	vld [tilespmem:$0x2828];
	v31 =	vadd.f32 v33, v32;
	v38 =	vadd.f32 v35, v34  }
0xf9: {  	v29 =	vld [tilespmem:$0x2778];
	v60 =	vadd.f32 v37, v36;
	v23 =	vadd.f32 v23, v46  }
0xfa: {  	v30 =	vld.idx.msk [tilespmem:v44+s19+$0x0], $0xffff;
	v20 =	vadd.f32 v21, v20;
	v21 =	vadd.f32 v28, v26  }
0xfb: {  	v42 =	vld [tilespmem:$0x27B8];
	v26 =	vadd.f32 v38, v31;
	v23 =	vadd.f32 v23, v60  }
0xfc: {  	[tilespmem:$0x1FFC0] =	vst v49;
	v1 =	vmov v49;
	v49 =	vld [tilespmem:$0x2808]  }
0xfd: {  	v6 =	vmov v48;
	v48 =	vld [tilespmem:$0x2818];
	v20 =	vadd.f32 v21, v20;
	v21 =	vadd.f32 v23, v26  }
0xfe: {  	v43 =	vld [tilespmem:$0x27C8];
	v23 =	vshll.u32 v61, $0x4;
	v26 =	vadd.s32 $0x5, v19  }
0xff: {  	v44 =	vld [tilespmem:$0x27D8];
	v28 =	vadd.f32 v54, v30;
	v20 =	vadd.f32 v21, v20  }
0x100: {  	s24 =	sadd.s32 $0x10, s24;
	v46 =	vld [tilespmem:$0x27F8]  }
0x101: {  	s25 =	sadd.s32 $0x10, s25;
	v21 =	vld [tilespmem:s24+$0x0];
	v20 =	vadd.f32 v20, v28  }
0x102: {  	v28 =	vld [tilespmem:s25+$0x0]  }
0x103: {  	v30 =	vld.idx.msk [tilespmem:v23+s13+$0x0], $0xffff;
	[tilespmem:v26+s22+$0x0] =	vst.idx.msk $0xffff, v20  }
0x104: {  	v20 =	vld [tilespmem:$0x2D38]  }
0x105: {  	v26 =	vld [tilespmem:$0x2D48]  }
0x106: {  	v31 =	vld [tilespmem:$0x2D58]  }
0x107: {  	v62 =	vld [tilespmem:$0x2D68]  }
0x108: {  	v33 =	vld [tilespmem:$0x2D78]  }
0x109: {  	v34 =	vld [tilespmem:$0x2D88]  }
0x10a: {  	v35 =	vld [tilespmem:$0x2D98]  }
0x10b: {  	v36 =	vld [tilespmem:$0x2DA8]  }
0x10c: {  	v37 =	vld [tilespmem:$0x2DB8]  }
0x10d: {  	v10 =	vmov v50;
	v50 =	vld [tilespmem:$0x2DC8]  }
0x10e: {  	v5 =	vmov v51;
	v51 =	vld [tilespmem:$0x2DD8]  }
0x10f: {  	v8 =	vmovc v52;
	v13 =	vmov v57;
	v38 =	vmov v55;
	v52 =	vor.u32 $0x1, v23;
	v55 =	vld [tilespmem:$0x2DE8]  }
0x110: {  	v22 =	vmovc v12;
	v12 =	vmovc v7;
	v7 =	vmov v53;
	v2 =	vadd.s32 $0x6, v63;
	v53 =	vor.u32 $0x2, v23;
	v57 =	vld [tilespmem:$0x2DF8]  }
0x111: {  	v11 =	vmovc v56;
	v3 =	vmovc v59;
	v54 =	vor.u32 $0x3, v23;
	v59 =	vld [tilespmem:$0x2E08];
	v20 =	vmul.f32 v20, v8;
	v26 =	vmul.f32 v26, v7  }
0x112: {  	[tilespmem:$0x1FFD0] =	vst v61;
	v56 =	vor.u32 $0x4, v23;
	v61 =	vld [tilespmem:$0x2E18];
	v31 =	vmul.f32 v31, v11;
	v32 =	vmul.f32 v62, v1  }
0x113: {  	v4 =	vor.u32 $0x5, v23;
	v0 =	vld [tilespmem:$0x2E28];
	v33 =	vmul.f32 v33, v12;
	v34 =	vmul.f32 v34, v13  }
0x114: {  	v60 =	vor.u32 $0x6, v23;
	v52 =	vld.idx.msk [tilespmem:v52+s13+$0x0], $0xffff;
	v35 =	vmul.f32 v35, v22;
	v36 =	vmul.f32 v36, v15  }
0x115: {  	v9 =	vmovc v19;
	v53 =	vld.idx.msk [tilespmem:v53+s13+$0x0], $0xffff;
	v62 =	vor.u32 $0x7, v23;
	v37 =	vmul.f32 v37, v38;
	v50 =	vmul.f32 v50, v5  }
0x116: {  	v17 =	vmovc v3;
	v54 =	vld.idx.msk [tilespmem:v54+s13+$0x0], $0xffff;
	v1 =	vadd.s32 $0x6A, v14;
	v51 =	vmul.f32 v51, v3;
	v55 =	vmul.f32 v55, v6  }
0x117: {  	v19 =	vmovc v58;
	v56 =	vld.idx.msk [tilespmem:v56+s13+$0x0], $0xffff;
	v3 =	vor.u32 $0x8, v23;
	v57 =	vmul.f32 v57, v58;
	v59 =	vmul.f32 v59, v18  }
0x118: {  	v58 =	vmul.f32 v0, v16;
	v0 =	vld.idx.msk [tilespmem:v2+s19+$0x0], $0xffff;
	v20 =	vadd.f32 v26, v20;
	v26 =	vadd.f32 v32, v31  }
0x119: {  	v61 =	vmul.f32 v61, v10;
	v31 =	vld.idx.msk [tilespmem:v4+s13+$0x0], $0xffff;
	v33 =	vadd.f32 v34, v33;
	v34 =	vadd.f32 v36, v35  }
0x11a: {  	v35 =	vor.u32 $0x9, v23;
	v36 =	vadd.f32 v50, v37;
	v37 =	vadd.f32 v55, v51;
	v55 =	vld.idx.msk [tilespmem:v60+s13+$0x0], $0xffff  }
0x11b: {  	v50 =	vor.u32 $0xA, v23;
	v2 =	vadd.f32 v59, v57;
	v32 =	vadd.f32 v58, v61;
	v4 =	vld [tilespmem:$0x1FFB0]  }
0x11c: {  	v57 =	vor.u32 $0xB, v23;
	v20 =	vadd.f32 v26, v20;
	v26 =	vadd.f32 v34, v33;
	v1 =	vld.idx.msk [tilespmem:v1+s19+$0x0], $0xffff  }
0x11d: {  	v60 =	vor.u32 $0xC, v23;
	v61 =	vadd.f32 v37, v36;
	v32 =	vadd.f32 v32, v2;
	v58 =	vld.idx.msk [tilespmem:v62+s13+$0x0], $0xffff  }
0x11e: {  	v2 =	vld.idx.msk [tilespmem:v3+s13+$0x0], $0xffff;
	v62 =	vor.u32 $0xD, v23  }
0x11f: {  	v20 =	vadd.f32 v26, v20;
	v26 =	vadd.f32 v32, v61;
	v51 =	vld.idx.msk [tilespmem:v35+s13+$0x0], $0xffff;
	v35 =	vor.u32 $0xE, v23  }
0x120: {  	v34 =	vadd.s32 $0x6, v9;
	v50 =	vld.idx.msk [tilespmem:v50+s13+$0x0], $0xffff;
	v23 =	vor.u32 $0xF, v23  }
0x121: {  	v57 =	vld.idx.msk [tilespmem:v57+s13+$0x0], $0xffff;
	v37 =	vadd.f32 v26, v20;
	v0 =	vadd.f32 v1, v0  }
0x122: {  	v59 =	vld.idx.msk [tilespmem:v60+s13+$0x0], $0xffff  }
0x123: {  	v60 =	vld.idx.msk [tilespmem:v62+s13+$0x0], $0xffff;
	v0 =	vadd.f32 v37, v0  }
0x124: {  	v21 =	vmul.u32 $0xA, v21;
	v36 =	vmax.f32 v30, $0.0e+00;
	v1 =	vld.idx.msk [tilespmem:v35+s13+$0x0], $0xffff  }
0x125: {  	v33 =	vmax.f32 v54, $0.0e+00;
	v32 =	vmax.f32 v53, $0.0e+00;
	v37 =	vmax.f32 v52, $0.0e+00;
	v52 =	vld.idx.msk [tilespmem:v23+s13+$0x0], $0xffff;
	[tilespmem:v34+s22+$0x0] =	vst.idx.msk $0xffff, v0  }
0x126: {  	v61 =	vadd.s32 $0x7, v63;
	v53 =	vmul.f32 v24, v36;
	v54 =	vmul.f32 v4, v32;
	v0 =	vld [tilespmem:$0x2E38]  }
0x127: {  	v20 =	vmul.u32 $0xA, v28;
	v30 =	vmax.f32 v58, $0.0e+00;
	v26 =	vmax.f32 v2, $0.0e+00;
	v2 =	vld [tilespmem:$0x2E48]  }
0x128: {  	v62 =	vadd.s32 $0x6B, v14;
	v41 =	vmul.f32 v41, v30;
	v3 =	vmax.f32 v51, $0.0e+00;
	v51 =	vld [tilespmem:$0x2E58]  }
0x129: {  	v35 =	vmax.f32 v31, $0.0e+00;
	v31 =	vmax.f32 v55, $0.0e+00;
	v34 =	vmax.f32 v56, $0.0e+00;
	v56 =	vld [tilespmem:$0x2E68]  }
0x12a: {  	v23 =	vmax.f32 v50, $0.0e+00;
	v55 =	vmul.f32 v27, v33;
	v50 =	vmul.f32 v25, v37;
	v58 =	vld [tilespmem:$0x2E78]  }
0x12b: {  	v27 =	vmax.f32 v59, $0.0e+00;
	v39 =	vmul.f32 v39, v35;
	v40 =	vmul.f32 v40, v31;
	v59 =	vld [tilespmem:$0x2E88]  }
0x12c: {  	v28 =	vmax.f32 v57, $0.0e+00;
	[tilespmem:$0x1FFF0] =	vst v3;
	v3 =	vmul.f32 v43, v3;
	v44 =	vmul.f32 v44, v23;
	v43 =	vld [tilespmem:$0x2E98]  }
0x12d: {  	v45 =	vmul.f32 v45, v28;
	v46 =	vmul.f32 v46, v27;
	v50 =	vadd.f32 v50, v53;
	v53 =	vld [tilespmem:$0x2EB8]  }
0x12e: {  	v54 =	vadd.f32 v55, v54;
	v57 =	vmul.f32 v29, v34;
	v24 =	vmax.f32 v60, $0.0e+00;
	v55 =	vld [tilespmem:$0x2EC8]  }
0x12f: {  	v60 =	vmul.f32 v42, v26;
	v40 =	vadd.f32 v41, v40;
	v41 =	vld [tilespmem:$0x2ED8];
	v42 =	vadd.s32 $0x64, v20  }
0x130: {  	v44 =	vadd.f32 v45, v44;
	v49 =	vmul.f32 v49, v24;
	v29 =	vmax.f32 v52, $0.0e+00;
	v52 =	vld [tilespmem:$0x2EA8]  }
0x131: {  	v25 =	vmax.f32 v1, $0.0e+00;
	v39 =	vadd.f32 v39, v57;
	v1 =	vadd.f32 v3, v60;
	v60 =	vld [tilespmem:$0x1FFC0]  }
0x132: {  	v57 =	vld [tilespmem:$0x2F18];
	v48 =	vmul.f32 v48, v25;
	v47 =	vmul.f32 v47, v29;
	v45 =	vadd.f32 v49, v46  }
0x133: {  	v46 =	vld [tilespmem:$0x2EE8];
	v49 =	vadd.f32 v54, v50;
	v0 =	vmul.f32 v0, v8;
	v2 =	vmul.f32 v2, v7  }
0x134: {  	v54 =	vld [tilespmem:$0x2F08];
	v39 =	vadd.f32 v40, v39;
	v50 =	vmul.f32 v51, v11;
	v40 =	vmul.f32 v58, v12  }
0x135: {  	v47 =	vadd.f32 v47, v48;
	v48 =	vld [tilespmem:$0x2EF8];
	v43 =	vmul.f32 v43, v22;
	v41 =	vmul.f32 v41, v17  }
0x136: {  	v1 =	vadd.f32 v44, v1;
	v51 =	vmul.f32 v56, v60;
	v44 =	vmul.f32 v52, v15;
	v52 =	vld [tilespmem:$0x2F28]  }
0x137: {  	v4 =	vmovc v10;
	v56 =	vmul.f32 v59, v13;
	v45 =	vadd.f32 v47, v45;
	v47 =	vmul.f32 v53, v38  }
0x138: {  	v39 =	vadd.f32 v39, v49;
	v59 =	vmovc v38;
	v53 =	vmul.f32 v55, v5;
	v38 =	vmul.f32 v57, v10  }
0x139: {  	v58 =	vmovc v5;
	v0 =	vadd.f32 v2, v0;
	v5 =	vld [tilespmem:$0x1FFD0];
	v46 =	vmul.f32 v46, v6;
	v1 =	vadd.f32 v45, v1  }
0x13a: {  	v42 =	vld.idx.msk [tilespmem:v42+s19+$0x0], $0xffff;
	v10 =	vadd.f32 v51, v50;
	v40 =	vadd.f32 v56, v40;
	v45 =	vmul.f32 v48, v19  }
0x13b: {  	v49 =	vld.idx.msk [tilespmem:v21+s19+$0x0], $0xffff;
	v43 =	vadd.f32 v44, v43;
	v48 =	vmul.f32 v54, v18;
	v55 =	vmul.f32 v52, v16  }
0x13c: {  	v57 =	vld.idx.msk [tilespmem:v61+s19+$0x0], $0xffff;
	v47 =	vadd.f32 v53, v47;
	v41 =	vadd.f32 v46, v41  }
0x13d: {  	v61 =	vld.idx.msk [tilespmem:v62+s19+$0x0], $0xffff;
	v45 =	vadd.f32 v48, v45;
	v62 =	vadd.f32 v55, v38  }
0x13e: {  	v0 =	vadd.f32 v10, v0;
	v10 =	vadd.f32 v43, v40;
	v38 =	vmul.u32 $0xA, v5  }
0x13f: {  	v47 =	vadd.f32 v41, v47;
	v48 =	vadd.f32 v62, v45  }
0x140: {  	v50 =	vor.u32 $0x1, v21;
	v42 =	vadd.f32 v42, v49;
	v1 =	vadd.f32 v1, v39  }
0x141: {  	v0 =	vadd.f32 v10, v0;
	v51 =	vadd.f32 v48, v47  }
0x142: {  	v52 =	vadd.s32 $0x7, v9;
	v1 =	vadd.f32 v1, v42  }
0x143: {  	[tilespmem:$0x1FFE0] =	vst v14;
	v53 =	vadd.f32 v61, v57;
	v0 =	vadd.f32 v51, v0  }
0x144: {  	v5 =	vld [tilespmem:$0x1FFE0];
	[tilespmem:v38+s22+$0x0] =	vst.idx.msk $0xffff, v1  }
0x145: {  	v39 =	vld.idx.msk [tilespmem:v50+s19+$0x0], $0xffff;
	v0 =	vadd.f32 v0, v53  }
0x146: {  	v1 =	vld [tilespmem:$0x2838]  }
0x147: {  	v2 =	vld [tilespmem:$0x2848];
	[tilespmem:v52+s22+$0x0] =	vst.idx.msk $0xffff, v0  }
0x148: {  	v0 =	vld [tilespmem:$0x2F38]  }
0x149: {  	v40 =	vld [tilespmem:$0x2F48]  }
0x14a: {  	v54 =	vld [tilespmem:$0x2F58]  }
0x14b: {  	v55 =	vld [tilespmem:$0x2F68]  }
0x14c: {  	v43 =	vld [tilespmem:$0x2F78]  }
0x14d: {  	v44 =	vld [tilespmem:$0x2F88]  }
0x14e: {  	v56 =	vld [tilespmem:$0x2F98]  }
0x14f: {  	v57 =	vld [tilespmem:$0x2FA8]  }
0x150: {  	v47 =	vld [tilespmem:$0x2FB8]  }
0x151: {  	v48 =	vld [tilespmem:$0x2FC8]  }
0x152: {  	v49 =	vld [tilespmem:$0x2FD8]  }
0x153: {  	v50 =	vld [tilespmem:$0x2FE8]  }
0x154: {  	v10 =	vld [tilespmem:$0x2FF8]  }
0x155: {  	v53 =	vld [tilespmem:$0x3018]  }
0x156: {  	v62 =	vmov v60;
	v0 =	vmul.f32 v0, v8;
	v42 =	vmul.f32 v55, v60;
	v60 =	vld [tilespmem:$0x3008]  }
0x157: {  	v40 =	vmul.f32 v40, v7;
	v41 =	vmul.f32 v54, v11;
	v54 =	vld [tilespmem:$0x3028]  }
0x158: {  	v43 =	vmul.f32 v43, v12;
	v44 =	vmul.f32 v44, v13;
	v55 =	vld [tilespmem:$0x2858]  }
0x159: {  	v14 =	vmovc v19;
	v3 =	vmovc v6;
	v45 =	vmul.f32 v56, v22;
	v46 =	vmul.f32 v57, v15;
	v56 =	vadd.s32 $0x8, v63;
	v57 =	vld [tilespmem:$0x2868]  }
0x15a: {  	v6 =	vmovc v58;
	v19 =	vmovc v59;
	v47 =	vmul.f32 v47, v59;
	v48 =	vmul.f32 v48, v58;
	v58 =	vadd.s32 $0x6C, v5;
	v59 =	vld [tilespmem:$0x2878]  }
0x15b: {  	v49 =	vmul.f32 v49, v17;
	v0 =	vadd.f32 v40, v0;
	v40 =	vadd.f32 v42, v41;
	v41 =	vld [tilespmem:$0x2898]  }
0x15c: {  	v50 =	vmul.f32 v50, v3;
	v43 =	vadd.f32 v44, v43;
	v44 =	vadd.f32 v46, v45;
	v46 =	vld [tilespmem:$0x28C8]  }
0x15d: {  	v51 =	vmul.f32 v10, v14;
	v52 =	vmul.f32 v60, v18;
	v60 =	vld [tilespmem:$0x2888]  }
0x15e: {  	v53 =	vmul.f32 v53, v4;
	v61 =	vmul.f32 v54, v16;
	v45 =	vld.idx.msk [tilespmem:v56+s19+$0x0], $0xffff  }
0x15f: {  	v54 =	vadd.f32 v48, v47;
	v56 =	vadd.f32 v50, v49;
	v48 =	vld.idx.msk [tilespmem:v58+s19+$0x0], $0xffff  }
0x160: {  	v47 =	vld [tilespmem:$0x28D8];
	v58 =	vadd.f32 v52, v51;
	v42 =	vadd.f32 v61, v53  }
0x161: {  	v0 =	vadd.f32 v40, v0;
	v49 =	vld [tilespmem:$0x28E8];
	v52 =	vadd.f32 v44, v43  }
0x162: {  	v10 =	vmovc v14;
	v14 =	vmov v16;
	v16 =	vld [tilespmem:$0x1FFF0];
	v53 =	vadd.f32 v56, v54;
	v42 =	vadd.f32 v42, v58  }
0x163: {  	v1 =	vmul.f32 v1, v36;
	v61 =	vld [tilespmem:$0x28A8]  }
0x164: {  	v43 =	vld [tilespmem:$0x28B8];
	v56 =	vand.u32 $0x1FFE, v9;
	v0 =	vadd.f32 v52, v0;
	v54 =	vadd.f32 v42, v53  }
0x165: {  	v2 =	vmul.f32 v2, v37;
	v44 =	vadd.s32 $0x65, v20;
	v58 =	vld [tilespmem:$0x28F8];
	v42 =	vadd.s32 $0x8, v56  }
0x166: {  	v40 =	vmul.f32 v55, v32;
	v52 =	vld [tilespmem:$0x2908];
	v45 =	vadd.f32 v48, v45;
	v0 =	vadd.f32 v54, v0  }
0x167: {  	v41 =	vmul.f32 v41, v31;
	v54 =	vmul.f32 v60, v35;
	v60 =	vld [tilespmem:$0x2918]  }
0x168: {  	v48 =	vmul.f32 v57, v33;
	v0 =	vadd.f32 v0, v45;
	v45 =	vmul.f32 v61, v30;
	v61 =	vld [tilespmem:$0x2928]  }
0x169: {  	v46 =	vmul.f32 v46, v16;
	v57 =	vmul.f32 v49, v28  }
0x16a: {  	v53 =	vmul.f32 v59, v34;
	v44 =	vld.idx.msk [tilespmem:v44+s19+$0x0], $0xffff;
	v43 =	vmul.f32 v43, v26;
	[tilespmem:v42+s22+$0x0] =	vst.idx.msk $0xffff, v0  }
0x16b: {  	v1 =	vadd.f32 v2, v1;
	v58 =	vmul.f32 v58, v27;
	v0 =	vmul.f32 v47, v23;
	v47 =	vld [tilespmem:$0x3038]  }
0x16c: {  	v59 =	vmul.f32 v52, v24;
	v43 =	vadd.f32 v46, v43;
	v54 =	vadd.f32 v54, v53;
	v52 =	vld [tilespmem:$0x3048]  }
0x16d: {  	v55 =	vmul.f32 v60, v25;
	v60 =	vadd.f32 v48, v40;
	v40 =	vld [tilespmem:$0x3058];
	v61 =	vmul.f32 v61, v29  }
0x16e: {  	v41 =	vadd.f32 v45, v41;
	v56 =	vld [tilespmem:$0x3068];
	v0 =	vadd.f32 v57, v0  }
0x16f: {  	v42 =	vld [tilespmem:$0x3078];
	v57 =	vadd.f32 v59, v58;
	v48 =	vadd.f32 v61, v55  }
0x170: {  	v49 =	vld [tilespmem:$0x3088];
	v58 =	vadd.f32 v41, v54;
	v1 =	vadd.f32 v60, v1  }
0x171: {  	v46 =	vld [tilespmem:$0x30A8];
	v0 =	vadd.f32 v0, v43;
	v59 =	vadd.f32 v48, v57  }
0x172: {  	v50 =	vld [tilespmem:$0x30D8]  }
0x173: {  	v51 =	vld [tilespmem:$0x30F8];
	v1 =	vadd.f32 v58, v1;
	v0 =	vadd.f32 v59, v0  }
0x174: {  	v41 =	vld [tilespmem:$0x3098];
	v61 =	vor.u32 $0x1, v38  }
0x175: {  	v39 =	vadd.f32 v44, v39;
	v60 =	vld [tilespmem:$0x30C8];
	v0 =	vadd.f32 v0, v1  }
0x176: {  	v53 =	vmovc v37;
	v37 =	vmul.f32 v56, v62;
	v56 =	vmov v32;
	v32 =	vmul.f32 v42, v12;
	v42 =	vld [tilespmem:$0x3118]  }
0x177: {  	v48 =	vld [tilespmem:$0x30B8];
	v0 =	vadd.f32 v0, v39  }
0x178: {  	v45 =	vmov v20;
	v55 =	vmov v26;
	v44 =	vmul.f32 v47, v8;
	v1 =	vld [tilespmem:$0x30E8]  }
0x179: {  	v47 =	vmul.f32 v52, v7;
	v52 =	vmov v36;
	v36 =	vmul.f32 v40, v11;
	v39 =	vld [tilespmem:$0x3108];
	[tilespmem:v61+s22+$0x0] =	vst.idx.msk $0xffff, v0  }
0x17a: {  	v40 =	vmul.f32 v49, v13;
	v49 =	vmovc v33;
	v7 =	vmovc v34;
	v33 =	vmul.f32 v46, v15;
	v12 =	vmov v31;
	v34 =	vld [tilespmem:$0x3128]  }
0x17b: {  	v15 =	vmovc v30;
	v30 =	vadd.s32 $0x6D, v5;
	v26 =	vmul.f32 v51, v10;
	v57 =	vmovc v35;
	v35 =	vadd.s32 $0x9, v63;
	v31 =	vld [tilespmem:$0x2938]  }
0x17c: {  	v63 =	vmovc v21;
	v2 =	vmul.f32 v60, v6;
	v60 =	vmul.f32 v50, v17;
	v36 =	vadd.f32 v37, v36;
	v21 =	vld [tilespmem:$0x2948]  }
0x17d: {  	v32 =	vadd.f32 v40, v32;
	v59 =	vmovc v23;
	v23 =	vmul.f32 v42, v4;
	v11 =	vmul.f32 v48, v19;
	v20 =	vld [tilespmem:$0x2958]  }
0x17e: {  	v48 =	vmovc v28;
	v28 =	vadd.f32 v47, v44;
	v0 =	vmul.f32 v41, v22;
	v1 =	vmul.f32 v1, v3;
	v22 =	vld [tilespmem:$0x2968]  }
0x17f: {  	v58 =	vmovc v27;
	v2 =	vadd.f32 v2, v11;
	v27 =	vld [tilespmem:$0x2978];
	v39 =	vmul.f32 v39, v18;
	v34 =	vmul.f32 v34, v14  }
0x180: {  	v50 =	vmov v25;
	v25 =	vld.idx.msk [tilespmem:v30+s19+$0x0], $0xffff;
	v0 =	vadd.f32 v33, v0;
	v1 =	vadd.f32 v1, v60  }
0x181: {  	v51 =	vmovc v16;
	v16 =	vmov v29;
	v29 =	vld [tilespmem:$0x2988];
	v26 =	vadd.f32 v39, v26;
	v23 =	vadd.f32 v34, v23  }
0x182: {  	v28 =	vadd.f32 v36, v28;
	v18 =	vmov v24;
	v24 =	vld.idx.msk [tilespmem:v35+s19+$0x0], $0xffff;
	v0 =	vadd.f32 v0, v32  }
0x183: {  	v30 =	vld [tilespmem:$0x2998];
	v1 =	vadd.f32 v1, v2;
	v61 =	vadd.f32 v23, v26  }
0x184: {  	v62 =	vld [tilespmem:$0x29C8]  }
0x185: {  	v10 =	vld [tilespmem:$0x29D8];
	v0 =	vadd.f32 v0, v28;
	v1 =	vadd.f32 v61, v1  }
0x186: {  	v11 =	vld [tilespmem:$0x29E8];
	v28 =	vadd.s32 $0x9, v9  }
0x187: {  	v36 =	vld [tilespmem:$0x2A18];
	v24 =	vadd.f32 v25, v24;
	v0 =	vadd.f32 v1, v0  }
0x188: {  	v25 =	vmul.f32 v31, v52;
	v31 =	vld [tilespmem:$0x29F8]  }
0x189: {  	v23 =	vld [tilespmem:$0x29A8];
	v0 =	vadd.f32 v0, v24  }
0x18a: {  	v21 =	vmul.f32 v21, v53;
	v26 =	vld [tilespmem:$0x29B8]  }
0x18b: {  	v20 =	vmul.f32 v20, v56;
	v22 =	vmul.f32 v22, v49;
	v24 =	vld [tilespmem:$0x2A08];
	[tilespmem:v28+s22+$0x0] =	vst.idx.msk $0xffff, v0  }
0x18c: {  	v19 =	vmovc v38;
	v38 =	vadd.s32 $0x66, v45;
	v27 =	vmul.f32 v27, v7;
	v29 =	vmul.f32 v29, v57;
	v28 =	vld [tilespmem:$0x2A28]  }
0x18d: {  	v37 =	vmul.f32 v30, v12;
	v30 =	vadd.s32 $0x2, v63;
	v2 =	vmul.f32 v62, v51  }
0x18e: {  	v32 =	vmul.f32 v10, v59;
	v33 =	vmul.f32 v36, v50;
	v20 =	vadd.f32 v22, v20  }
0x18f: {  	v21 =	vadd.f32 v21, v25;
	v31 =	vmul.f32 v31, v58;
	v1 =	vmul.f32 v11, v48  }
0x190: {  	v25 =	vadd.f32 v29, v27;
	v23 =	vmul.f32 v23, v15;
	v26 =	vmul.f32 v26, v55  }
0x191: {  	v1 =	vadd.f32 v1, v32;
	v24 =	vmul.f32 v24, v18;
	v22 =	vmul.f32 v28, v16  }
0x192: {  	v2 =	vadd.f32 v2, v26;
	v0 =	vadd.f32 v23, v37  }
0x193: {  	v23 =	vld.idx.msk [tilespmem:v30+s19+$0x0], $0xffff;
	v24 =	vadd.f32 v24, v31;
	v22 =	vadd.f32 v22, v33  }
0x194: {  	v20 =	vadd.f32 v20, v21;
	v26 =	vld.idx.msk [tilespmem:v38+s19+$0x0], $0xffff;
	v1 =	vadd.f32 v1, v2  }
0x195: {  	v0 =	vadd.f32 v0, v25;
	v39 =	vadd.f32 v22, v24;
	_ =	sdelay $0x1  }
0x196: {  	v0 =	vadd.f32 v0, v20;
	v1 =	vadd.f32 v39, v1  }
0x197: {  	v40 =	vadd.s32 $0x2, v19  }
0x198: {  	v20 =	vadd.f32 v26, v23;
	v0 =	vadd.f32 v1, v0;
	_ =	sdelay $0x1  }
0x199: {  	v0 =	vadd.f32 v0, v20;
	_ =	sdelay $0x1  }
0x19a: {  	[tilespmem:v40+s22+$0x0] =	vst.idx.msk $0xffff, v0  }
0x19b: {  	v0 =	vld [tilespmem:$0x2A38]  }
0x19c: {  	v41 =	vld [tilespmem:$0x2A48]  }
0x19d: {  	v2 =	vld [tilespmem:$0x2A58]  }
0x19e: {  	v20 =	vld [tilespmem:$0x2A68]  }
0x19f: {  	v21 =	vld [tilespmem:$0x2A78]  }
0x1a0: {  	v22 =	vld [tilespmem:$0x2A88]  }
0x1a1: {  	v23 =	vld [tilespmem:$0x2A98]  }
0x1a2: {  	v24 =	vld [tilespmem:$0x2AA8]  }
0x1a3: {  	v25 =	vld [tilespmem:$0x2AB8]  }
0x1a4: {  	v26 =	vld [tilespmem:$0x2AC8]  }
0x1a5: {  	v27 =	vld [tilespmem:$0x2AD8]  }
0x1a6: {  	v28 =	vld [tilespmem:$0x2AE8]  }
0x1a7: {  	v29 =	vld [tilespmem:$0x2AF8];
	v0 =	vmul.f32 v0, v52;
	v1 =	vmul.f32 v41, v53  }
0x1a8: {  	v30 =	vld [tilespmem:$0x2B08];
	v2 =	vmul.f32 v2, v56;
	v20 =	vmul.f32 v20, v49  }
0x1a9: {  	v31 =	vld [tilespmem:$0x2B18];
	v21 =	vmul.f32 v21, v7;
	v22 =	vmul.f32 v22, v57  }
0x1aa: {  	v42 =	vld [tilespmem:$0x2B28];
	v23 =	vmul.f32 v23, v12;
	v24 =	vmul.f32 v24, v15  }
0x1ab: {  	v25 =	vmul.f32 v25, v55;
	v26 =	vmul.f32 v26, v51  }
0x1ac: {  	v43 =	vadd.s32 $0x3, v63;
	v27 =	vmul.f32 v27, v59;
	v28 =	vmul.f32 v28, v48  }
0x1ad: {  	v44 =	vadd.s32 $0x67, v45;
	v29 =	vmul.f32 v29, v58;
	v30 =	vmul.f32 v30, v18  }
0x1ae: {  	v31 =	vmul.f32 v31, v50;
	v0 =	vadd.f32 v1, v0;
	v46 =	vadd.f32 v20, v2  }
0x1af: {  	v54 =	vmul.f32 v42, v16;
	v20 =	vadd.f32 v22, v21;
	v21 =	vadd.f32 v24, v23  }
0x1b0: {  	v23 =	vadd.f32 v26, v25;
	v24 =	vadd.f32 v28, v27  }
0x1b1: {  	v22 =	vld.idx.msk [tilespmem:v43+s19+$0x0], $0xffff;
	v26 =	vadd.f32 v30, v29;
	v2 =	vadd.f32 v54, v31  }
0x1b2: {  	v25 =	vld.idx.msk [tilespmem:v44+s19+$0x0], $0xffff;
	v0 =	vadd.f32 v46, v0;
	v60 =	vadd.f32 v21, v20  }
0x1b3: {  	v20 =	vadd.f32 v24, v23;
	v2 =	vadd.f32 v2, v26;
	_ =	sdelay $0x1  }
0x1b4: {  	v0 =	vadd.f32 v60, v0;
	v61 =	vadd.f32 v2, v20  }
0x1b5: {  	v62 =	vadd.s32 $0x3, v19  }
0x1b6: {  	v20 =	vadd.f32 v25, v22;
	v0 =	vadd.f32 v61, v0;
	_ =	sdelay $0x1  }
0x1b7: {  	v0 =	vadd.f32 v0, v20;
	_ =	sdelay $0x1  }
0x1b8: {  	[tilespmem:v62+s22+$0x0] =	vst.idx.msk $0xffff, v0  }
0x1b9: {  	v27 =	vld [tilespmem:$0x2B38]  }
0x1ba: {  	v29 =	vld [tilespmem:$0x2B48]  }
0x1bb: {  	v25 =	vld [tilespmem:$0x2B58]  }
0x1bc: {  	v28 =	vld [tilespmem:$0x2B68]  }
0x1bd: {  	p0 =	sne.s32 s26, $0x1F0;
	v23 =	vld [tilespmem:$0x2B78]  }
.Ltmp0:
0x1be: {  	v26 =	vld [tilespmem:$0x2B88];
	(pc) =	sbr.rel @p0 .LBB2_2-.Ltmp0, $4  }
0x1bf: {  	v22 =	vld [tilespmem:$0x2B98]  }
0x1c0: {  	v24 =	vld [tilespmem:$0x2BA8]  }
0x1c1: {  	v20 =	vld [tilespmem:$0x2BB8]  }
0x1c2: {  	s26 =	sadd.s32 $0x10, s26;
	v47 =	vlaneseq.u32;
	v21 =	vld [tilespmem:$0x2BC8]  }
0x1c3: {  	v0 =	vld [tilespmem:$0x2BD8]  }
0x1c4: {  	v1 =	vld [tilespmem:$0x2BE8]  }
0x1c5: {  	v14 =	vld [tilespmem:$0x2BF8]  }
0x1c6: {  	v2 =	vmul.f32 v27, v52;
	v13 =	vmul.f32 v29, v53;
	v30 =	vld [tilespmem:$0x2C08]  }
0x1c7: {  	v25 =	vmul.f32 v25, v56;
	v28 =	vmul.f32 v28, v49;
	v31 =	vld [tilespmem:$0x2C18]  }
0x1c8: {  	v23 =	vmul.f32 v23, v7;
	v26 =	vmul.f32 v26, v57;
	v32 =	vld [tilespmem:$0x2C28];
	v33 =	vadd.s32 $0x4, v63  }
0x1c9: {  	v34 =	vadd.s32 $0x68, v45;
	v22 =	vmul.f32 v22, v12;
	v24 =	vmul.f32 v24, v15  }
0x1ca: {  	v2 =	vadd.f32 v13, v2;
	v20 =	vmul.f32 v20, v55;
	v21 =	vmul.f32 v21, v51  }
0x1cb: {  	v25 =	vadd.f32 v28, v25;
	v0 =	vmul.f32 v0, v59;
	v1 =	vmul.f32 v1, v48  }
0x1cc: {  	v23 =	vadd.f32 v26, v23;
	v29 =	vmul.f32 v14, v58;
	v30 =	vmul.f32 v30, v18  }
0x1cd: {  	v22 =	vadd.f32 v24, v22;
	v31 =	vmul.f32 v31, v50;
	v17 =	vmul.f32 v32, v16  }
0x1ce: {  	v20 =	vadd.f32 v21, v20;
	v0 =	vadd.f32 v1, v0  }
0x1cf: {  	v32 =	vld.idx.msk [tilespmem:v33+s19+$0x0], $0xffff;
	v33 =	vadd.f32 v30, v29;
	v35 =	vadd.f32 v17, v31  }
0x1d0: {  	v2 =	vadd.f32 v25, v2;
	v36 =	vld.idx.msk [tilespmem:v34+s19+$0x0], $0xffff;
	v22 =	vadd.f32 v22, v23  }
0x1d1: {  	v0 =	vadd.f32 v0, v20;
	v37 =	vadd.f32 v35, v33;
	_ =	sdelay $0x1  }
0x1d2: {  	v2 =	vadd.f32 v22, v2;
	v0 =	vadd.f32 v37, v0  }
0x1d3: {  	v38 =	vadd.s32 $0x4, v19  }
0x1d4: {  	v1 =	vadd.f32 v36, v32;
	v0 =	vadd.f32 v0, v2;
	_ =	sdelay $0x1  }
0x1d5: {  	v0 =	vadd.f32 v0, v1;
	_ =	sdelay $0x1  }
0x1d6: {  	[tilespmem:v38+s22+$0x0] =	vst.idx.msk $0xffff, v0  }
0x1d7: {  	v0 =	vld [tilespmem:$0x2C38]  }
0x1d8: {  	v39 =	vld [tilespmem:$0x2C48]  }
0x1d9: {  	v40 =	vld [tilespmem:$0x2C58]  }
0x1da: {  	v20 =	vld [tilespmem:$0x2C68]  }
0x1db: {  	v41 =	vld [tilespmem:$0x2C78]  }
0x1dc: {  	v42 =	vld [tilespmem:$0x2C88]  }
0x1dd: {  	v43 =	vld [tilespmem:$0x2C98]  }
0x1de: {  	v44 =	vld [tilespmem:$0x2CA8]  }
0x1df: {  	v46 =	vld [tilespmem:$0x2CB8]  }
0x1e0: {  	v54 =	vld [tilespmem:$0x2CC8]  }
0x1e1: {  	v60 =	vld [tilespmem:$0x2CD8]  }
0x1e2: {  	v61 =	vld [tilespmem:$0x2CE8]  }
0x1e3: {  	v62 =	vld [tilespmem:$0x2CF8];
	v0 =	vmul.f32 v0, v52;
	v1 =	vmul.f32 v39, v53  }
0x1e4: {  	v3 =	vld [tilespmem:$0x2D08];
	v2 =	vmul.f32 v40, v56;
	v20 =	vmul.f32 v20, v49  }
0x1e5: {  	v4 =	vld [tilespmem:$0x2D18];
	v21 =	vmul.f32 v41, v7;
	v22 =	vmul.f32 v42, v57  }
0x1e6: {  	v5 =	vld [tilespmem:$0x2D28];
	v23 =	vmul.f32 v43, v12;
	v24 =	vmul.f32 v44, v15  }
0x1e7: {  	v25 =	vmul.f32 v46, v55;
	v26 =	vmul.f32 v54, v51  }
0x1e8: {  	v8 =	vadd.s32 $0x69, v45;
	v27 =	vmul.f32 v60, v59;
	v28 =	vmul.f32 v61, v48  }
0x1e9: {  	v6 =	vadd.s32 $0x5, v63;
	v29 =	vmul.f32 v62, v58;
	v30 =	vmul.f32 v3, v18  }
0x1ea: {  	v31 =	vmul.f32 v4, v50;
	v0 =	vadd.f32 v1, v0;
	v9 =	vadd.f32 v20, v2  }
0x1eb: {  	v10 =	vmul.f32 v5, v16;
	v11 =	vadd.f32 v22, v21;
	v13 =	vadd.f32 v24, v23  }
0x1ec: {  	v14 =	vadd.f32 v26, v25;
	v17 =	vadd.f32 v28, v27  }
0x1ed: {  	v33 =	vld.idx.msk [tilespmem:v8+s19+$0x0], $0xffff;
	v32 =	vadd.f32 v30, v29;
	v2 =	vadd.f32 v10, v31  }
0x1ee: {  	v28 =	vld.idx.msk [tilespmem:v6+s19+$0x0], $0xffff;
	v0 =	vadd.f32 v9, v0;
	v34 =	vadd.f32 v13, v11  }
0x1ef: {  	v35 =	vadd.f32 v17, v14;
	v2 =	vadd.f32 v2, v32;
	_ =	sdelay $0x1  }
0x1f0: {  	v0 =	vadd.f32 v34, v0;
	v36 =	vadd.f32 v2, v35  }
0x1f1: {  	v37 =	vadd.s32 $0x5, v19  }
0x1f2: {  	v38 =	vadd.f32 v33, v28;
	v0 =	vadd.f32 v36, v0;
	_ =	sdelay $0x1  }
0x1f3: {  	v0 =	vadd.f32 v0, v38;
	_ =	sdelay $0x1  }
0x1f4: {  	[tilespmem:v37+s22+$0x0] =	vst.idx.msk $0xffff, v0  }
0x1f5: {  	v0 =	vld [tilespmem:$0x2D38]  }
0x1f6: {  	v39 =	vld [tilespmem:$0x2D48]  }
0x1f7: {  	v2 =	vld [tilespmem:$0x2D58]  }
0x1f8: {  	v40 =	vld [tilespmem:$0x2D68]  }
0x1f9: {  	v41 =	vld [tilespmem:$0x2D78]  }
0x1fa: {  	v42 =	vld [tilespmem:$0x2D88]  }
0x1fb: {  	v43 =	vld [tilespmem:$0x2D98]  }
0x1fc: {  	v44 =	vld [tilespmem:$0x2DA8]  }
0x1fd: {  	v46 =	vld [tilespmem:$0x2DB8]  }
0x1fe: {  	v54 =	vld [tilespmem:$0x2DC8]  }
0x1ff: {  	v60 =	vld [tilespmem:$0x2DD8]  }
0x200: {  	v61 =	vld [tilespmem:$0x2DE8]  }
0x201: {  	v62 =	vld [tilespmem:$0x2DF8];
	v0 =	vmul.f32 v0, v52;
	v1 =	vmul.f32 v39, v53  }
0x202: {  	v3 =	vld [tilespmem:$0x2E08];
	v2 =	vmul.f32 v2, v56;
	v20 =	vmul.f32 v40, v49  }
0x203: {  	v4 =	vld [tilespmem:$0x2E18];
	v21 =	vmul.f32 v41, v7;
	v22 =	vmul.f32 v42, v57  }
0x204: {  	v5 =	vld [tilespmem:$0x2E28];
	v23 =	vmul.f32 v43, v12;
	v24 =	vmul.f32 v44, v15  }
0x205: {  	v25 =	vmul.f32 v46, v55;
	v26 =	vmul.f32 v54, v51  }
0x206: {  	v8 =	vadd.s32 $0x6A, v45;
	v27 =	vmul.f32 v60, v59;
	v28 =	vmul.f32 v61, v48  }
0x207: {  	v6 =	vadd.s32 $0x6, v63;
	v29 =	vmul.f32 v62, v58;
	v30 =	vmul.f32 v3, v18  }
0x208: {  	v31 =	vmul.f32 v4, v50;
	v0 =	vadd.f32 v1, v0;
	v9 =	vadd.f32 v20, v2  }
0x209: {  	v10 =	vmul.f32 v5, v16;
	v11 =	vadd.f32 v22, v21;
	v13 =	vadd.f32 v24, v23  }
0x20a: {  	v14 =	vadd.f32 v26, v25;
	v17 =	vadd.f32 v28, v27  }
0x20b: {  	v32 =	vld.idx.msk [tilespmem:v8+s19+$0x0], $0xffff;
	v30 =	vadd.f32 v30, v29;
	v2 =	vadd.f32 v10, v31  }
0x20c: {  	v28 =	vld.idx.msk [tilespmem:v6+s19+$0x0], $0xffff;
	v0 =	vadd.f32 v9, v0;
	v33 =	vadd.f32 v13, v11  }
0x20d: {  	v34 =	vadd.f32 v17, v14;
	v2 =	vadd.f32 v2, v30;
	_ =	sdelay $0x1  }
0x20e: {  	v0 =	vadd.f32 v33, v0;
	v35 =	vadd.f32 v2, v34  }
0x20f: {  	v36 =	vadd.s32 $0x6, v19  }
0x210: {  	v37 =	vadd.f32 v32, v28;
	v0 =	vadd.f32 v35, v0;
	_ =	sdelay $0x1  }
0x211: {  	v0 =	vadd.f32 v0, v37;
	_ =	sdelay $0x1  }
0x212: {  	[tilespmem:v36+s22+$0x0] =	vst.idx.msk $0xffff, v0  }
0x213: {  	v0 =	vld [tilespmem:$0x2E38]  }
0x214: {  	v38 =	vld [tilespmem:$0x2E48]  }
0x215: {  	v2 =	vld [tilespmem:$0x2E58]  }
0x216: {  	v39 =	vld [tilespmem:$0x2E68]  }
0x217: {  	v40 =	vld [tilespmem:$0x2E78]  }
0x218: {  	v41 =	vld [tilespmem:$0x2E88]  }
0x219: {  	v42 =	vld [tilespmem:$0x2E98]  }
0x21a: {  	v43 =	vld [tilespmem:$0x2EA8]  }
0x21b: {  	v44 =	vld [tilespmem:$0x2EB8]  }
0x21c: {  	v46 =	vld [tilespmem:$0x2EC8]  }
0x21d: {  	v54 =	vld [tilespmem:$0x2ED8]  }
0x21e: {  	v60 =	vld [tilespmem:$0x2EE8]  }
0x21f: {  	v61 =	vld [tilespmem:$0x2EF8];
	v0 =	vmul.f32 v0, v52;
	v1 =	vmul.f32 v38, v53  }
0x220: {  	v62 =	vld [tilespmem:$0x2F08];
	v2 =	vmul.f32 v2, v56;
	v20 =	vmul.f32 v39, v49  }
0x221: {  	v3 =	vld [tilespmem:$0x2F18];
	v21 =	vmul.f32 v40, v7;
	v22 =	vmul.f32 v41, v57  }
0x222: {  	v4 =	vld [tilespmem:$0x2F28];
	v23 =	vmul.f32 v42, v12;
	v24 =	vmul.f32 v43, v15  }
0x223: {  	v25 =	vmul.f32 v44, v55;
	v26 =	vmul.f32 v46, v51  }
0x224: {  	v5 =	vadd.s32 $0x7, v63;
	v27 =	vmul.f32 v54, v59;
	v28 =	vmul.f32 v60, v48  }
0x225: {  	v6 =	vadd.s32 $0x6B, v45;
	v29 =	vmul.f32 v61, v58;
	v30 =	vmul.f32 v62, v18  }
0x226: {  	v31 =	vmul.f32 v3, v50;
	v0 =	vadd.f32 v1, v0;
	v8 =	vadd.f32 v20, v2  }
0x227: {  	v9 =	vmul.f32 v4, v16;
	v10 =	vadd.f32 v22, v21;
	v11 =	vadd.f32 v24, v23  }
0x228: {  	v13 =	vadd.f32 v26, v25;
	v14 =	vadd.f32 v28, v27  }
0x229: {  	v17 =	vld.idx.msk [tilespmem:v5+s19+$0x0], $0xffff;
	v28 =	vadd.f32 v30, v29;
	v2 =	vadd.f32 v9, v31  }
0x22a: {  	v29 =	vld.idx.msk [tilespmem:v6+s19+$0x0], $0xffff;
	v0 =	vadd.f32 v8, v0;
	v30 =	vadd.f32 v11, v10  }
0x22b: {  	v31 =	vadd.f32 v14, v13;
	v2 =	vadd.f32 v2, v28;
	_ =	sdelay $0x1  }
0x22c: {  	v0 =	vadd.f32 v30, v0;
	v32 =	vadd.f32 v2, v31  }
0x22d: {  	v33 =	vadd.s32 $0x7, v19  }
0x22e: {  	v34 =	vadd.f32 v29, v17;
	v0 =	vadd.f32 v32, v0;
	_ =	sdelay $0x1  }
0x22f: {  	v0 =	vadd.f32 v0, v34;
	_ =	sdelay $0x1  }
0x230: {  	[tilespmem:v33+s22+$0x0] =	vst.idx.msk $0xffff, v0  }
0x231: {  	v0 =	vld [tilespmem:$0x2F38]  }
0x232: {  	v35 =	vld [tilespmem:$0x2F48]  }
0x233: {  	v2 =	vld [tilespmem:$0x2F58]  }
0x234: {  	v36 =	vld [tilespmem:$0x2F68]  }
0x235: {  	v37 =	vld [tilespmem:$0x2F78]  }
0x236: {  	v38 =	vld [tilespmem:$0x2F88]  }
0x237: {  	v39 =	vld [tilespmem:$0x2F98]  }
0x238: {  	v40 =	vld [tilespmem:$0x2FA8]  }
0x239: {  	v41 =	vld [tilespmem:$0x2FB8]  }
0x23a: {  	v42 =	vld [tilespmem:$0x2FC8]  }
0x23b: {  	v43 =	vld [tilespmem:$0x2FD8]  }
0x23c: {  	v44 =	vld [tilespmem:$0x2FE8]  }
0x23d: {  	v46 =	vld [tilespmem:$0x2FF8];
	v0 =	vmul.f32 v0, v52;
	v1 =	vmul.f32 v35, v53  }
0x23e: {  	v54 =	vld [tilespmem:$0x3008];
	v2 =	vmul.f32 v2, v56;
	v20 =	vmul.f32 v36, v49  }
0x23f: {  	v60 =	vld [tilespmem:$0x3018];
	v21 =	vmul.f32 v37, v7;
	v22 =	vmul.f32 v38, v57  }
0x240: {  	v61 =	vld [tilespmem:$0x3028];
	v23 =	vmul.f32 v39, v12;
	v24 =	vmul.f32 v40, v15  }
0x241: {  	v25 =	vmul.f32 v41, v55;
	v26 =	vmul.f32 v42, v51  }
0x242: {  	v62 =	vadd.s32 $0x8, v63;
	v27 =	vmul.f32 v43, v59;
	v28 =	vmul.f32 v44, v48  }
0x243: {  	v4 =	vadd.s32 $0x6C, v45;
	v29 =	vmul.f32 v46, v58;
	v30 =	vmul.f32 v54, v18  }
0x244: {  	v31 =	vmul.f32 v60, v50;
	v0 =	vadd.f32 v1, v0;
	v5 =	vadd.f32 v20, v2  }
0x245: {  	v6 =	vmul.f32 v61, v16;
	v8 =	vadd.f32 v22, v21;
	v9 =	vadd.f32 v24, v23  }
0x246: {  	v10 =	vadd.f32 v26, v25;
	v11 =	vadd.f32 v28, v27  }
0x247: {  	v13 =	vld.idx.msk [tilespmem:v62+s19+$0x0], $0xffff;
	v14 =	vadd.f32 v30, v29;
	v2 =	vadd.f32 v6, v31  }
0x248: {  	v17 =	vld.idx.msk [tilespmem:v4+s19+$0x0], $0xffff;
	v0 =	vadd.f32 v5, v0;
	v27 =	vadd.f32 v9, v8  }
0x249: {  	v28 =	vadd.f32 v11, v10;
	v2 =	vadd.f32 v2, v14;
	_ =	sdelay $0x1  }
0x24a: {  	v30 =	vand.u32 $0x1FFE, v19;
	v0 =	vadd.f32 v27, v0;
	v29 =	vadd.f32 v2, v28  }
0x24b: {  	v2 =	vadd.s32 $0x8, v30  }
0x24c: {  	v31 =	vadd.f32 v17, v13;
	v0 =	vadd.f32 v29, v0;
	_ =	sdelay $0x1  }
0x24d: {  	v0 =	vadd.f32 v0, v31;
	_ =	sdelay $0x1  }
0x24e: {  	[tilespmem:v2+s22+$0x0] =	vst.idx.msk $0xffff, v0  }
0x24f: {  	v0 =	vld [tilespmem:$0x3038]  }
0x250: {  	v32 =	vld [tilespmem:$0x3048]  }
0x251: {  	v2 =	vld [tilespmem:$0x3058]  }
0x252: {  	v33 =	vld [tilespmem:$0x3068]  }
0x253: {  	v34 =	vld [tilespmem:$0x3078]  }
0x254: {  	v35 =	vld [tilespmem:$0x3088]  }
0x255: {  	v36 =	vld [tilespmem:$0x3098]  }
0x256: {  	v37 =	vld [tilespmem:$0x30A8]  }
0x257: {  	v38 =	vld [tilespmem:$0x30B8]  }
0x258: {  	v39 =	vld [tilespmem:$0x30C8]  }
0x259: {  	v40 =	vld [tilespmem:$0x30D8]  }
0x25a: {  	v41 =	vld [tilespmem:$0x30E8]  }
0x25b: {  	v3 =	vld [tilespmem:$0x30F8];
	v0 =	vmul.f32 v0, v52;
	v1 =	vmul.f32 v32, v53  }
0x25c: {  	v5 =	vld [tilespmem:$0x3108];
	v2 =	vmul.f32 v2, v56;
	v4 =	vmul.f32 v33, v49  }
0x25d: {  	v9 =	vld [tilespmem:$0x3118];
	v42 =	vmul.f32 v34, v7;
	v8 =	vmul.f32 v35, v57  }
0x25e: {  	v43 =	vld [tilespmem:$0x3128];
	v6 =	vmul.f32 v36, v12;
	v11 =	vmul.f32 v37, v15  }
0x25f: {  	v44 =	vmul.f32 v38, v55;
	v46 =	vmul.f32 v39, v51  }
0x260: {  	v49 =	vadd.s32 $0x9, v63;
	v10 =	vmul.f32 v40, v59;
	v13 =	vmul.f32 v41, v48  }
0x261: {  	v51 =	vadd.s32 $0x6D, v45;
	v3 =	vmul.f32 v3, v58;
	v5 =	vmul.f32 v5, v18  }
0x262: {  	v9 =	vmul.f32 v9, v50;
	v0 =	vadd.f32 v1, v0;
	v52 =	vadd.f32 v4, v2  }
0x263: {  	v53 =	vmul.f32 v43, v16;
	v54 =	vadd.f32 v8, v42;
	v6 =	vadd.f32 v11, v6  }
0x264: {  	v55 =	vadd.f32 v46, v44;
	v56 =	vadd.f32 v13, v10  }
0x265: {  	v3 =	vadd.f32 v5, v3;
	v2 =	vadd.f32 v53, v9;
	v57 =	vld.idx.msk [tilespmem:v49+s19+$0x0], $0xffff  }
0x266: {  	v0 =	vadd.f32 v52, v0;
	v59 =	vadd.f32 v6, v54;
	v58 =	vld.idx.msk [tilespmem:v51+s19+$0x0], $0xffff  }
0x267: {  	v60 =	vadd.f32 v56, v55;
	v2 =	vadd.f32 v2, v3;
	_ =	sdelay $0x1  }
0x268: {  	v0 =	vadd.f32 v59, v0;
	v61 =	vadd.f32 v2, v60  }
0x269: {  	v62 =	vadd.s32 $0x9, v19  }
0x26a: {  	v0 =	vadd.f32 v61, v0;
	v63 =	vadd.f32 v58, v57;
	_ =	sdelay $0x1  }
0x26b: {  	s23 =	sadd.s32 $0x1, s23;
	v0 =	vadd.f32 v0, v63  }
0x26c: {  	p0 =	sne.s32 s23, s10  }
.Ltmp1:
0x26d: {  	[tilespmem:v62+s22+$0x0] =	vst.idx.msk $0xffff, v0;
	(pc) =	sbr.rel @p0 .LBB2_1-.Ltmp1, $4  }
0x26e: {  	[hbm4b:s9+s1] =	stream.linear.scatter [tilespmem:s22], [sflag:$0x2], $0x1400, $0x38;
	[tilespmem:$0x4538] =	vst v63  }
0x26f: {  	_ =	swait.ge [sflag:s11], $0x1400  }
0x270: {  	[sflag:s11] =	ssyncset.done $0x0  }
0x271: {  	[sflag:s11] =	ssyncadd.s32 $0xFFFFEC00  }
0x272: {  	_ =	sfence.sel $0x180000  }
0x273: {  	[bflag:$0x0] =	sbarrier.arrive $0xFFFF  }
0x274: {  	p0 =	sne.s32 s2, $0x0;
	_ =	strace $0x90000047  }
0x275: {  	s0 =	sadd.s32 @!p0 $0x100000, s0;
	[bflag:$0x2] =	sbarrier.arrive $0xFFFF  }
0x276: {  	[sflag:s0] =	ssyncadd.tile.s32 @!p0 $0x1;
	_ =	shalt  }
.Lfunc_end2:
_tile_overlayer_lowered:
.L_overlay_start_2:
0x277: {  	(tag) =	ssettag $0x2  }
0x278: {  	s0 =	rddreg [dreg:$0x0];
	s2 =	stileid.u32  }
0x279: {  	s1 =	rddreg [dreg:$0x1];
	p0 =	sne.s32 s2, $0x0  }
0x27a: {  	s3 =	rddreg [dreg:$0x2];
	[bflag:$0x3] =	sbarrier.arrive $0xFFFF;
	s2 =	simm.s32 @!p0 $0x1C02  }
0x27b: {  	[timem:s3], [sflag:s2] =	dma.local @!p0 [hbm:s0], s1  }
0x27c: {  	s0 =	simm.s32 @!p0 $0x2  }
0x27d: {  	_ =	swait.ge @!p0 [sflag:s0], s1  }
0x27e: {  	s1 =	ssub.s32 @!p0 $0x0, s1;
	[sflag:s0] =	ssyncset.done @!p0 $0x0  }
0x27f: {  	[sflag:s0] =	ssyncadd.s32 @!p0 s1  }
0x280: {  	[bflag:$0x3] =	sbarrier.arrive $0xFFFF  }
0x281: {  	_ =	shalt  }

</sc_bundles>
